<compile_context>
chip_gen: v7x
topology: tpu7x:2x2x1
jax: 0.10.2.dev20260603
libtpu: 0.0.44.dev20260713+nightly
codegen_flags: <defaults>
</compile_context>

<pallas_src>
import dataclasses
import functools

import jax
import jax.numpy as jnp
from jax import lax
from jax.experimental import pallas as pl
from jax.experimental.pallas import tpu as pltpu
from jax.experimental.pallas import tpu_sc as plsc

VOCAB = 1000
EMB = 1000
N_TOK = 51200

NC = 2
NS = 16
L = 16
NW = NC * NS
PER_W = N_TOK // NW
GCH = 64

TB = 2048
NB = N_TOK // TB


def _mm_body(th_ref, idx_ref, out_ref):
    iv = idx_ref[0, 0, :]
    vio = lax.broadcasted_iota(jnp.int32, (VOCAB, TB), 0)
    oh = (vio == iv[None, :]).astype(jnp.bfloat16)
    out_ref[...] = jnp.dot(th_ref[...], oh,
                           preferred_element_type=jnp.float32)


def _logits_t(th, idx3):
    return pl.pallas_call(
        _mm_body,
        grid=(NB,),
        in_specs=[
            pl.BlockSpec((VOCAB, VOCAB), lambda i: (0, 0)),
            pl.BlockSpec((1, 1, TB), lambda i: (i, 0, 0)),
        ],
        out_specs=pl.BlockSpec((VOCAB, TB), lambda i: (0, i)),
        out_shape=jax.ShapeDtypeStruct((VOCAB, N_TOK), jnp.float32),
        compiler_params=pltpu.CompilerParams(
            dimension_semantics=("parallel",),
        ),
    )(th, idx3)


def _sc_loss_kernel(tflat_hbm, idx_hbm, tgt_hbm,
                    part_hbm,
                    tflat_sh, part_sh, lse_sh,
                    idx_v, tgt_v, flat_v, lse_v, picked_v,
                    acc_lse, acc_picked, red_v,
                    row_v, mv, sv, mbuf, sbuf, lse_loc):
    cid = lax.axis_index("c")
    sid = lax.axis_index("s")
    wid = sid * NC + cid
    base = wid * PER_W

    @pl.when(sid < 8)
    def _():
        pltpu.sync_copy(tflat_hbm.at[pl.ds(sid * 125000, 125000)],
                        tflat_sh.at[pl.ds(sid * 125000, 125000)])

    pltpu.sync_copy(idx_hbm.at[pl.ds(base, PER_W)], idx_v)
    pltpu.sync_copy(tgt_hbm.at[pl.ds(base, PER_W)], tgt_v)

    @pl.loop(0, PER_W // L)
    def _(j):
        o = j * L
        flat_v[pl.ds(o, L)] = idx_v[pl.ds(o, L)] * EMB + tgt_v[pl.ds(o, L)]

    acc_lse[...] = jnp.zeros((L,), jnp.float32)
    acc_picked[...] = jnp.zeros((L,), jnp.float32)

    plsc.subcore_barrier()

    tail_m = lax.iota(jnp.int32, L) >= (L - EMB % L)
    lane = lax.iota(jnp.int32, L)

    for h in range(4):
        mbuf[...] = jnp.zeros((L,), jnp.float32)
        sbuf[...] = jnp.full((L,), 2.0, jnp.float32)

        @pl.loop(0, L)
        def _(k):
            v = sid * 64 + h * L + k

            @pl.when(v < VOCAB)
            def _():
                pltpu.sync_copy(tflat_sh.at[pl.ds(v * EMB, EMB)], row_v)
                mv[...] = row_v[pl.ds(0, L)]

                @pl.loop(1, EMB // L)
                def _(j):
                    mv[...] = jnp.maximum(mv[...], row_v[pl.ds(j * L, L)])

                tail = row_v[pl.ds(EMB - L, L)]
                mv[...] = jnp.maximum(
                    mv[...], jnp.where(tail_m, tail, jnp.float32(-3e38)))
                m = jnp.max(mv[...])
                sv[...] = jnp.zeros((L,), jnp.float32)

                @pl.loop(0, EMB // L)
                def _(j):
                    sv[...] = sv[...] + jnp.exp(row_v[pl.ds(j * L, L)] - m)

                sv[...] = sv[...] + jnp.where(
                    tail_m, jnp.exp(tail - m), jnp.float32(0.0))
                sel = lane == k
                mbuf[...] = jnp.where(sel, m, mbuf[...])
                sbuf[...] = jnp.where(sel, jnp.sum(sv[...]), sbuf[...])

        s16 = sbuf[...]
        m16 = mbuf[...]
        e = ((plsc.bitcast(s16, jnp.int32) >> 23) & 255) - 127
        y = jnp.float32(0.6931472) * e.astype(jnp.float32)
        for _ in range(5):
            y = y + s16 * jnp.exp(-y) - jnp.float32(1.0)
        lse_loc[pl.ds(h * L, L)] = m16 + y

    pltpu.sync_copy(lse_loc, lse_sh.at[pl.ds(sid * 64, 64)])
    plsc.subcore_barrier()
    pltpu.sync_copy(lse_sh.at[pl.ds(0, VOCAB)], lse_v)

    @pl.loop(0, PER_W // GCH)
    def _(g):
        o = g * GCH
        pltpu.sync_copy(tflat_sh.at[flat_v.at[pl.ds(o, GCH)]],
                        picked_v.at[pl.ds(o, GCH)])

    @pl.loop(0, PER_W // L)
    def _(j):
        o = j * L
        acc_picked[...] = acc_picked[...] + picked_v[pl.ds(o, L)]
        lv = plsc.load_gather(lse_v, [idx_v[pl.ds(o, L)]])
        acc_lse[...] = acc_lse[...] + lv

    acc_lse[...] = acc_lse[...] - acc_picked[...]
    pltpu.sync_copy(acc_lse, part_sh.at[sid])
    plsc.subcore_barrier()

    @pl.when(sid == 0)
    def _():
        pltpu.sync_copy(part_sh, red_v)
        acc_picked[...] = jnp.zeros((L,), jnp.float32)

        @pl.loop(0, NS)
        def _(k):
            acc_picked[...] = acc_picked[...] + red_v[k]

        pltpu.sync_copy(acc_picked, part_hbm.at[cid])


@functools.cache
def _sc_loss():
    cp = pltpu.CompilerParams()
    if "needs_layout_passes" in pltpu.CompilerParams.__dataclass_fields__:
        cp = dataclasses.replace(cp, needs_layout_passes=False)
    if "use_tc_tiling_on_sc" in pltpu.CompilerParams.__dataclass_fields__:
        cp = dataclasses.replace(cp, use_tc_tiling_on_sc=False)
    return pl.kernel(
        _sc_loss_kernel,
        mesh=plsc.VectorSubcoreMesh(core_axis_name="c", subcore_axis_name="s"),
        compiler_params=cp,
        out_type=[
            jax.ShapeDtypeStruct((NC, L), jnp.float32),
        ],
        scratch_types=[
            pltpu.VMEM_SHARED((VOCAB * EMB,), jnp.float32),
            pltpu.VMEM_SHARED((NS, L), jnp.float32),
            pltpu.VMEM_SHARED((NS * 64,), jnp.float32),
            pltpu.VMEM((PER_W,), jnp.int32),
            pltpu.VMEM((PER_W,), jnp.int32),
            pltpu.VMEM((PER_W,), jnp.int32),
            pltpu.VMEM((VOCAB,), jnp.float32),
            pltpu.VMEM((PER_W,), jnp.float32),
            pltpu.VMEM((L,), jnp.float32),
            pltpu.VMEM((L,), jnp.float32),
            pltpu.VMEM((NS, L), jnp.float32),
            pltpu.VMEM((EMB,), jnp.float32),
            pltpu.VMEM((L,), jnp.float32),
            pltpu.VMEM((L,), jnp.float32),
            pltpu.VMEM((L,), jnp.float32),
            pltpu.VMEM((L,), jnp.float32),
            pltpu.VMEM((64,), jnp.float32),
        ],
    )


def kernel(table, idx, targets):
    idx_flat = idx.reshape(N_TOK).astype(jnp.int32)
    tgt_flat = targets.reshape(N_TOK).astype(jnp.int32)
    idx3 = idx_flat.reshape(NB, 1, TB)

    th = table.T.astype(jnp.bfloat16)
    tflat = table.reshape(VOCAB * EMB)

    (part,) = _sc_loss()(tflat, idx_flat, tgt_flat)
    logits_t = _logits_t(th, idx3)

    logits = logits_t.T
    loss = jnp.sum(part) / N_TOK
    return (logits, loss)

# --- scband reference (transcript-rebuilt; emitter-appended) ---
"""Pipeline reference for scband-bi-gram-language-model-36558761623633 (READ-ONLY COPY).

The authoritative reference and input builder live on the scoring server;
editing this copy changes nothing except your own understanding.
"""

import jax, jax.numpy as jnp
import numpy as np

VOCAB_SIZE = 1000
N_EMBED = 1000
B, T = 1024, 50

def setup_inputs(seed: int = 0) -> dict:
    key = jax.random.key(seed)
    k1, k2, k3 = jax.random.split(key, 3)
    idx = jax.random.randint(k1, (B, T), 0, VOCAB_SIZE)
    targets = jax.random.randint(k2, (B, T), 0, VOCAB_SIZE)
    table = jax.random.normal(k3, (VOCAB_SIZE, N_EMBED), dtype=jnp.float32) * 0.02
    return {"table": table, "idx": idx, "targets": targets}

def reference(table, idx, targets):
    b, t = idx.shape
    # embedding lookup: logits = token_embedding_table(idx)
    logits = jnp.take(table, idx, axis=0)  # [B, T, C]
    c = logits.shape[-1]
    logits = logits.reshape(b * t, c)
    tgt = targets.reshape(b * t)
    # F.cross_entropy(logits, targets) with mean reduction
    lse = jax.nn.logsumexp(logits, axis=-1)
    picked = jnp.take_along_axis(logits, tgt[:, None], axis=1)[:, 0]
    loss = jnp.mean(lse - picked)
    return (logits, loss)

if __name__ == "__main__":
    import jax
    _d = setup_inputs()
    print(jax.jit(kernel)(*tuple(_d.values())))

</pallas_src>

<mosaic_0001>
#map = affine_map<(d0, d1) -> (0)>
#map1 = affine_map<(d0, d1) -> (0, 0)>
module attributes {stable_mosaic.version = 14 : i64} {
  func.func @_sc_loss_kernel(%arg0: i32, %arg1: i32, %arg2: memref<1000000xf32, #tpu.memory_space<hbm>>, %arg3: memref<51200xi32, #tpu.memory_space<hbm>>, %arg4: memref<51200xi32, #tpu.memory_space<hbm>>, %arg5: memref<2x16xf32, #tpu.memory_space<hbm>>, %arg6: memref<1000000xf32, #tpu.memory_space<vmem_shared>>, %arg7: memref<16x16xf32, #tpu.memory_space<vmem_shared>>, %arg8: memref<1024xf32, #tpu.memory_space<vmem_shared>>, %arg9: memref<1600xi32, #tpu.memory_space<vmem>>, %arg10: memref<1600xi32, #tpu.memory_space<vmem>>, %arg11: memref<1600xi32, #tpu.memory_space<vmem>>, %arg12: memref<1000xf32, #tpu.memory_space<vmem>>, %arg13: memref<1600xf32, #tpu.memory_space<vmem>>, %arg14: memref<16xf32, #tpu.memory_space<vmem>>, %arg15: memref<16xf32, #tpu.memory_space<vmem>>, %arg16: memref<16x16xf32, #tpu.memory_space<vmem>>, %arg17: memref<1000xf32, #tpu.memory_space<vmem>>, %arg18: memref<16xf32, #tpu.memory_space<vmem>>, %arg19: memref<16xf32, #tpu.memory_space<vmem>>, %arg20: memref<16xf32, #tpu.memory_space<vmem>>, %arg21: memref<16xf32, #tpu.memory_space<vmem>>, %arg22: memref<64xf32, #tpu.memory_space<vmem>>) attributes {dimension_semantics = [#tpu.dimension_semantics<core_parallel>, #tpu.dimension_semantics<subcore_parallel>], iteration_bounds = array<i64: 2, 16>, scalar_prefetch = 0 : i64, scratch_operands = 17 : i64, tpu.core_type = #tpu.core_type<sc_vector_subcore>, window_params = [{transform_indices = #map}, {transform_indices = #map}, {transform_indices = #map}, {transform_indices = #map1}]} {
    %mul3A = arith.constant 2 : i32
    %mul3A_0 = arith.muli %arg1, %mul3A : i32
    %add3A = arith.addi %mul3A_0, %arg0 : i32
    %mul3A_1 = arith.constant 1600 : i32
    %mul3A_2 = arith.muli %add3A, %mul3A_1 : i32
    %lt3A = arith.constant 8 : i32
    %lt3A_3 = arith.cmpi slt, %arg1, %lt3A : i32
    %convert_element_type3A = arith.extui %lt3A_3 : i1 to i32
    %cond3A = arith.constant 0 : i32
    %cond3A_4 = arith.cmpi ne, %convert_element_type3A, %cond3A : i32
    scf.if %cond3A_4 {
      %mul3A_352 = arith.constant 125000 : i32
      %mul3A_353 = arith.muli %arg1, %mul3A_352 : i32
      %mul3A_354 = arith.constant 125000 : i32
      %mul3A_355 = arith.muli %arg1, %mul3A_354 : i32
      "tpu.region"() ({
        %run_scoped3A = tpu.sem_alloc : memref<!tpu.dma_semaphore, #tpu.memory_space<semaphore_mem>>
        %dma_start3A = tpu.memref_slice %arg6[%mul3A_355] : memref<1000000xf32, #tpu.memory_space<vmem_shared>> -> memref<125000xf32, #tpu.memory_space<vmem_shared>>
        %dma_start3A_356 = tpu.memref_slice %arg2[%mul3A_353] : memref<1000000xf32, #tpu.memory_space<hbm>> -> memref<125000xf32, #tpu.memory_space<hbm>>
        tpu.enqueue_dma source(%dma_start3A_356 : memref<125000xf32, #tpu.memory_space<hbm>>) target(%dma_start3A : memref<125000xf32, #tpu.memory_space<vmem_shared>>) target_semaphore(%run_scoped3A : memref<!tpu.dma_semaphore, #tpu.memory_space<semaphore_mem>>)
        %dma_wait3A = tpu.memref_slice %arg6[%mul3A_355] : memref<1000000xf32, #tpu.memory_space<vmem_shared>> -> memref<125000xf32, #tpu.memory_space<vmem_shared>>
        %dma_wait3A_357 = tpu.memref_slice %arg2[%mul3A_353] : memref<1000000xf32, #tpu.memory_space<hbm>> -> memref<125000xf32, #tpu.memory_space<hbm>>
        tpu.wait_dma2 semaphore(%run_scoped3A : memref<!tpu.dma_semaphore, #tpu.memory_space<semaphore_mem>>) src(%dma_wait3A_357 : memref<125000xf32, #tpu.memory_space<hbm>>) dst(%dma_wait3A : memref<125000xf32, #tpu.memory_space<vmem_shared>>)
        tpu.yield
      }) : () -> ()
    } else {
    }
    "tpu.region"() ({
      %run_scoped3A = tpu.sem_alloc : memref<!tpu.dma_semaphore, #tpu.memory_space<semaphore_mem>>
      %dma_start3A = tpu.memref_slice %arg3[%mul3A_2] : memref<51200xi32, #tpu.memory_space<hbm>> -> memref<1600xi32, #tpu.memory_space<hbm>>
      %dma_start3A_352 = tpu.memref_slice %arg3[%mul3A_2] : memref<51200xi32, #tpu.memory_space<hbm>> -> memref<1600xi32, #tpu.memory_space<hbm>>
      tpu.enqueue_dma source(%dma_start3A_352 : memref<1600xi32, #tpu.memory_space<hbm>>) target(%arg9 : memref<1600xi32, #tpu.memory_space<vmem>>) target_semaphore(%run_scoped3A : memref<!tpu.dma_semaphore, #tpu.memory_space<semaphore_mem>>)
      %dma_wait3A = tpu.memref_slice %arg3[%mul3A_2] : memref<51200xi32, #tpu.memory_space<hbm>> -> memref<1600xi32, #tpu.memory_space<hbm>>
      %dma_wait3A_353 = tpu.memref_slice %arg3[%mul3A_2] : memref<51200xi32, #tpu.memory_space<hbm>> -> memref<1600xi32, #tpu.memory_space<hbm>>
      tpu.wait_dma2 semaphore(%run_scoped3A : memref<!tpu.dma_semaphore, #tpu.memory_space<semaphore_mem>>) src(%dma_wait3A_353 : memref<1600xi32, #tpu.memory_space<hbm>>) dst(%arg9 : memref<1600xi32, #tpu.memory_space<vmem>>)
      tpu.yield
    }) : () -> ()
    "tpu.region"() ({
      %run_scoped3A = tpu.sem_alloc : memref<!tpu.dma_semaphore, #tpu.memory_space<semaphore_mem>>
      %dma_start3A = tpu.memref_slice %arg4[%mul3A_2] : memref<51200xi32, #tpu.memory_space<hbm>> -> memref<1600xi32, #tpu.memory_space<hbm>>
      %dma_start3A_352 = tpu.memref_slice %arg4[%mul3A_2] : memref<51200xi32, #tpu.memory_space<hbm>> -> memref<1600xi32, #tpu.memory_space<hbm>>
      tpu.enqueue_dma source(%dma_start3A_352 : memref<1600xi32, #tpu.memory_space<hbm>>) target(%arg10 : memref<1600xi32, #tpu.memory_space<vmem>>) target_semaphore(%run_scoped3A : memref<!tpu.dma_semaphore, #tpu.memory_space<semaphore_mem>>)
      %dma_wait3A = tpu.memref_slice %arg4[%mul3A_2] : memref<51200xi32, #tpu.memory_space<hbm>> -> memref<1600xi32, #tpu.memory_space<hbm>>
      %dma_wait3A_353 = tpu.memref_slice %arg4[%mul3A_2] : memref<51200xi32, #tpu.memory_space<hbm>> -> memref<1600xi32, #tpu.memory_space<hbm>>
      tpu.wait_dma2 semaphore(%run_scoped3A : memref<!tpu.dma_semaphore, #tpu.memory_space<semaphore_mem>>) src(%dma_wait3A_353 : memref<1600xi32, #tpu.memory_space<hbm>>) dst(%arg10 : memref<1600xi32, #tpu.memory_space<vmem>>)
      tpu.yield
    }) : () -> ()
    %scan3A = arith.constant 0 : i32
    %scan3A_5 = arith.constant 100 : i32
    %scan3A_6 = arith.addi %scan3A, %scan3A_5 : i32
    %scan3A_7 = arith.constant 1 : i32
    scf.for %scan3A_352 = %scan3A to %scan3A_6 step %scan3A_7  : i32 {
      %mul3A_353 = arith.constant 1 : i32
      %mul3A_354 = arith.muli %scan3A_352, %mul3A_353 : i32
      %add3A_355 = arith.constant 0 : i32
      %add3A_356 = arith.addi %add3A_355, %mul3A_354 : i32
      %mul3A_357 = arith.constant 16 : i32
      %mul3A_358 = arith.muli %add3A_356, %mul3A_357 : i32
      %get3A_359 = arith.index_cast %mul3A_358 : i32 to index
      %get3A_360 = tpu.vector_load %arg9[%get3A_359] {strides = array<i32>} : memref<1600xi32, #tpu.memory_space<vmem>>, vector<16xi32>,
      %mul3A_361 = arith.constant 1000 : i32
      %mul3A_362 = vector.broadcast %mul3A_361 : i32 to vector<16xi32>
      %mul3A_363 = arith.muli %get3A_360, %mul3A_362 : vector<16xi32>
      %get3A_364 = arith.index_cast %mul3A_358 : i32 to index
      %get3A_365 = tpu.vector_load %arg10[%get3A_364] {strides = array<i32>} : memref<1600xi32, #tpu.memory_space<vmem>>, vector<16xi32>,
      %add3A_366 = arith.addi %mul3A_363, %get3A_365 : vector<16xi32>
      %swap3A_367 = arith.index_cast %mul3A_358 : i32 to index
      %swap3A_368 = tpu.vector_load %arg11[%swap3A_367] {strides = array<i32>} : memref<1600xi32, #tpu.memory_space<vmem>>, vector<16xi32>,
      tpu.vector_store %arg11[%swap3A_367], %add3A_366 {strides = array<i32>} : memref<1600xi32, #tpu.memory_space<vmem>>, vector<16xi32>,
    }
    %scan3A_8 = arith.constant 100 : i32
    %broadcast_in_dim3A = arith.constant 0.000000e+00 : f32
    %broadcast_in_dim3A_9 = vector.broadcast %broadcast_in_dim3A : f32 to vector<16xf32>
    %swap3A = arith.constant 0 : index
    %swap3A_10 = tpu.vector_load %arg14[%swap3A] {strides = array<i32>} : memref<16xf32, #tpu.memory_space<vmem>>, vector<16xf32>,
    tpu.vector_store %arg14[%swap3A], %broadcast_in_dim3A_9 {strides = array<i32>} : memref<16xf32, #tpu.memory_space<vmem>>, vector<16xf32>,
    %broadcast_in_dim3A_11 = arith.constant 0.000000e+00 : f32
    %broadcast_in_dim3A_12 = vector.broadcast %broadcast_in_dim3A_11 : f32 to vector<16xf32>
    %swap3A_13 = arith.constant 0 : index
    %swap3A_14 = tpu.vector_load %arg15[%swap3A_13] {strides = array<i32>} : memref<16xf32, #tpu.memory_space<vmem>>, vector<16xf32>,
    tpu.vector_store %arg15[%swap3A_13], %broadcast_in_dim3A_12 {strides = array<i32>} : memref<16xf32, #tpu.memory_space<vmem>>, vector<16xf32>,
    %barrier3A = arith.constant 0 : index
    tpu.barrier barrier_id(%barrier3A)
    %iota3A = tpu.iota {dimensions = array<i32: 0>} : vector<16xi32>
    %ge3A = arith.constant 8 : i32
    %ge3A_15 = vector.broadcast %ge3A : i32 to vector<16xi32>
    %ge3A_16 = arith.cmpi sge, %iota3A, %ge3A_15 : vector<16xi32>
    %iota3A_17 = tpu.iota {dimensions = array<i32: 0>} : vector<16xi32>
    %broadcast_in_dim3A_18 = arith.constant 0.000000e+00 : f32
    %broadcast_in_dim3A_19 = vector.broadcast %broadcast_in_dim3A_18 : f32 to vector<16xf32>
    %swap3A_20 = arith.constant 0 : index
    %swap3A_21 = tpu.vector_load %arg20[%swap3A_20] {strides = array<i32>} : memref<16xf32, #tpu.memory_space<vmem>>, vector<16xf32>,
    tpu.vector_store %arg20[%swap3A_20], %broadcast_in_dim3A_19 {strides = array<i32>} : memref<16xf32, #tpu.memory_space<vmem>>, vector<16xf32>,
    %broadcast_in_dim3A_22 = arith.constant 2.000000e+00 : f32
    %broadcast_in_dim3A_23 = vector.broadcast %broadcast_in_dim3A_22 : f32 to vector<16xf32>
    %swap3A_24 = arith.constant 0 : index
    %swap3A_25 = tpu.vector_load %arg21[%swap3A_24] {strides = array<i32>} : memref<16xf32, #tpu.memory_space<vmem>>, vector<16xf32>,
    tpu.vector_store %arg21[%swap3A_24], %broadcast_in_dim3A_23 {strides = array<i32>} : memref<16xf32, #tpu.memory_space<vmem>>, vector<16xf32>,
    %scan3A_26 = arith.constant 0 : i32
    %scan3A_27 = arith.constant 16 : i32
    %scan3A_28 = arith.addi %scan3A_26, %scan3A_27 : i32
    %scan3A_29 = arith.constant 1 : i32
    scf.for %scan3A_352 = %scan3A_26 to %scan3A_28 step %scan3A_29  : i32 {
      %mul3A_353 = arith.constant 1 : i32
      %mul3A_354 = arith.muli %scan3A_352, %mul3A_353 : i32
      %add3A_355 = arith.constant 0 : i32
      %add3A_356 = arith.addi %add3A_355, %mul3A_354 : i32
      %mul3A_357 = arith.constant 64 : i32
      %mul3A_358 = arith.muli %arg1, %mul3A_357 : i32
      %add3A_359 = arith.constant 0 : i32
      %add3A_360 = arith.addi %mul3A_358, %add3A_359 : i32
      %add3A_361 = arith.addi %add3A_360, %add3A_356 : i32
      %lt3A_362 = arith.constant 1000 : i32
      %lt3A_363 = arith.cmpi slt, %add3A_361, %lt3A_362 : i32
      %convert_element_type3A_364 = arith.extui %lt3A_363 : i1 to i32
      %cond3A_365 = arith.constant 0 : i32
      %cond3A_366 = arith.cmpi ne, %convert_element_type3A_364, %cond3A_365 : i32
      scf.if %cond3A_366 {
        %mul3A_367 = arith.constant 1000 : i32
        %mul3A_368 = arith.muli %add3A_361, %mul3A_367 : i32
        "tpu.region"() ({
          %run_scoped3A = tpu.sem_alloc : memref<!tpu.dma_semaphore, #tpu.memory_space<semaphore_mem>>
          %dma_start3A = tpu.memref_slice %arg6[%mul3A_368] : memref<1000000xf32, #tpu.memory_space<vmem_shared>> -> memref<1000xf32, #tpu.memory_space<vmem_shared>>
          %dma_start3A_429 = tpu.memref_slice %arg6[%mul3A_368] : memref<1000000xf32, #tpu.memory_space<vmem_shared>> -> memref<1000xf32, #tpu.memory_space<vmem_shared>>
          tpu.enqueue_dma source(%dma_start3A_429 : memref<1000xf32, #tpu.memory_space<vmem_shared>>) target(%arg17 : memref<1000xf32, #tpu.memory_space<vmem>>) target_semaphore(%run_scoped3A : memref<!tpu.dma_semaphore, #tpu.memory_space<semaphore_mem>>)
          %dma_wait3A = tpu.memref_slice %arg6[%mul3A_368] : memref<1000000xf32, #tpu.memory_space<vmem_shared>> -> memref<1000xf32, #tpu.memory_space<vmem_shared>>
          %dma_wait3A_430 = tpu.memref_slice %arg6[%mul3A_368] : memref<1000000xf32, #tpu.memory_space<vmem_shared>> -> memref<1000xf32, #tpu.memory_space<vmem_shared>>
          tpu.wait_dma2 semaphore(%run_scoped3A : memref<!tpu.dma_semaphore, #tpu.memory_space<semaphore_mem>>) src(%dma_wait3A_430 : memref<1000xf32, #tpu.memory_space<vmem_shared>>) dst(%arg17 : memref<1000xf32, #tpu.memory_space<vmem>>)
          tpu.yield
        }) : () -> ()
        %get3A_369 = arith.constant 0 : index
        %get3A_370 = tpu.vector_load %arg17[%get3A_369] {strides = array<i32>} : memref<1000xf32, #tpu.memory_space<vmem>>, vector<16xf32>,
        %swap3A_371 = arith.constant 0 : index
        %swap3A_372 = tpu.vector_load %arg18[%swap3A_371] {strides = array<i32>} : memref<16xf32, #tpu.memory_space<vmem>>, vector<16xf32>,
        tpu.vector_store %arg18[%swap3A_371], %get3A_370 {strides = array<i32>} : memref<16xf32, #tpu.memory_space<vmem>>, vector<16xf32>,
        %scan3A_373 = arith.constant 0 : i32
        %scan3A_374 = arith.constant 61 : i32
        %scan3A_375 = arith.addi %scan3A_373, %scan3A_374 : i32
        %scan3A_376 = arith.constant 1 : i32
        scf.for %scan3A_429 = %scan3A_373 to %scan3A_375 step %scan3A_376  : i32 {
          %mul3A_430 = arith.constant 1 : i32
          %mul3A_431 = arith.muli %scan3A_429, %mul3A_430 : i32
          %add3A_432 = arith.constant 1 : i32
          %add3A_433 = arith.addi %add3A_432, %mul3A_431 : i32
          %get3A_434 = arith.constant 0 : index
          %get3A_435 = tpu.vector_load %arg18[%get3A_434] {strides = array<i32>} : memref<16xf32, #tpu.memory_space<vmem>>, vector<16xf32>,
          %mul3A_436 = arith.constant 16 : i32
          %mul3A_437 = arith.muli %add3A_433, %mul3A_436 : i32
          %get3A_438 = arith.index_cast %mul3A_437 : i32 to index
          %get3A_439 = tpu.vector_load %arg17[%get3A_438] {strides = array<i32>} : memref<1000xf32, #tpu.memory_space<vmem>>, vector<16xf32>,
          %max3A_440 = arith.maximumf %get3A_435, %get3A_439 : vector<16xf32>
          %swap3A_441 = arith.constant 0 : index
          %swap3A_442 = tpu.vector_load %arg18[%swap3A_441] {strides = array<i32>} : memref<16xf32, #tpu.memory_space<vmem>>, vector<16xf32>,
          tpu.vector_store %arg18[%swap3A_441], %max3A_440 {strides = array<i32>} : memref<16xf32, #tpu.memory_space<vmem>>, vector<16xf32>,
        }
        %scan3A_377 = arith.constant 61 : i32
        %get3A_378 = arith.constant 984 : index
        %get3A_379 = tpu.vector_load %arg17[%get3A_378] {strides = array<i32>} : memref<1000xf32, #tpu.memory_space<vmem>>, vector<16xf32>,
        %get3A_380 = arith.constant 0 : index
        %get3A_381 = tpu.vector_load %arg18[%get3A_380] {strides = array<i32>} : memref<16xf32, #tpu.memory_space<vmem>>, vector<16xf32>,
        %jit3A = arith.constant -3.000000e+38 : f32
        %broadcast_in_dim3A_382 = vector.broadcast %jit3A : f32 to vector<16xf32>
        %select_n3A = arith.select %ge3A_16, %get3A_379, %broadcast_in_dim3A_382 : vector<16xi1>, vector<16xf32>
        %max3A = arith.maximumf %get3A_381, %select_n3A : vector<16xf32>
        %swap3A_383 = arith.constant 0 : index
        %swap3A_384 = tpu.vector_load %arg18[%swap3A_383] {strides = array<i32>} : memref<16xf32, #tpu.memory_space<vmem>>, vector<16xf32>,
        tpu.vector_store %arg18[%swap3A_383], %max3A {strides = array<i32>} : memref<16xf32, #tpu.memory_space<vmem>>, vector<16xf32>,
        %get3A_385 = arith.constant 0 : index
        %get3A_386 = tpu.vector_load %arg18[%get3A_385] {strides = array<i32>} : memref<16xf32, #tpu.memory_space<vmem>>, vector<16xf32>,
        %reduce_max3A = arith.constant true
        %reduce_max3A_387 = vector.broadcast %reduce_max3A : i1 to vector<16xi1>
        %reduce_max3A_388 = tpu.scan <max>, %get3A_386 masked %reduce_max3A_387 : vector<16xf32>, vector<16xi1> -> vector<16xf32>
        %reduce_max3A_389 = vector.extract %reduce_max3A_388[15] : f32 from vector<16xf32>
        %broadcast_in_dim3A_390 = arith.constant 0.000000e+00 : f32
        %broadcast_in_dim3A_391 = vector.broadcast %broadcast_in_dim3A_390 : f32 to vector<16xf32>
        %swap3A_392 = arith.constant 0 : index
        %swap3A_393 = tpu.vector_load %arg19[%swap3A_392] {strides = array<i32>} : memref<16xf32, #tpu.memory_space<vmem>>, vector<16xf32>,
        tpu.vector_store %arg19[%swap3A_392], %broadcast_in_dim3A_391 {strides = array<i32>} : memref<16xf32, #tpu.memory_space<vmem>>, vector<16xf32>,
        %scan3A_394 = arith.constant 0 : i32
        %scan3A_395 = arith.constant 62 : i32
        %scan3A_396 = arith.addi %scan3A_394, %scan3A_395 : i32
        %scan3A_397 = arith.constant 1 : i32
        scf.for %scan3A_429 = %scan3A_394 to %scan3A_396 step %scan3A_397  : i32 {
          %mul3A_430 = arith.constant 1 : i32
          %mul3A_431 = arith.muli %scan3A_429, %mul3A_430 : i32
          %add3A_432 = arith.constant 0 : i32
          %add3A_433 = arith.addi %add3A_432, %mul3A_431 : i32
          %get3A_434 = arith.constant 0 : index
          %get3A_435 = tpu.vector_load %arg19[%get3A_434] {strides = array<i32>} : memref<16xf32, #tpu.memory_space<vmem>>, vector<16xf32>,
          %mul3A_436 = arith.constant 16 : i32
          %mul3A_437 = arith.muli %add3A_433, %mul3A_436 : i32
          %get3A_438 = arith.index_cast %mul3A_437 : i32 to index
          %get3A_439 = tpu.vector_load %arg17[%get3A_438] {strides = array<i32>} : memref<1000xf32, #tpu.memory_space<vmem>>, vector<16xf32>,
          %sub3A_440 = vector.broadcast %reduce_max3A_389 : f32 to vector<16xf32>
          %sub3A_441 = arith.subf %get3A_439, %sub3A_440 : vector<16xf32>
          %exp3A_442 = math.exp %sub3A_441 : vector<16xf32>
          %add3A_443 = arith.addf %get3A_435, %exp3A_442 : vector<16xf32>
          %swap3A_444 = arith.constant 0 : index
          %swap3A_445 = tpu.vector_load %arg19[%swap3A_444] {strides = array<i32>} : memref<16xf32, #tpu.memory_space<vmem>>, vector<16xf32>,
          tpu.vector_store %arg19[%swap3A_444], %add3A_443 {strides = array<i32>} : memref<16xf32, #tpu.memory_space<vmem>>, vector<16xf32>,
        }
        %scan3A_398 = arith.constant 62 : i32
        %get3A_399 = arith.constant 0 : index
        %get3A_400 = tpu.vector_load %arg19[%get3A_399] {strides = array<i32>} : memref<16xf32, #tpu.memory_space<vmem>>, vector<16xf32>,
        %sub3A_401 = vector.broadcast %reduce_max3A_389 : f32 to vector<16xf32>
        %sub3A_402 = arith.subf %get3A_379, %sub3A_401 : vector<16xf32>
        %exp3A_403 = math.exp %sub3A_402 : vector<16xf32>
        %jit3A_404 = arith.constant 0.000000e+00 : f32
        %broadcast_in_dim3A_405 = vector.broadcast %jit3A_404 : f32 to vector<16xf32>
        %select_n3A_406 = arith.select %ge3A_16, %exp3A_403, %broadcast_in_dim3A_405 : vector<16xi1>, vector<16xf32>
        %add3A_407 = arith.addf %get3A_400, %select_n3A_406 : vector<16xf32>
        %swap3A_408 = arith.constant 0 : index
        %swap3A_409 = tpu.vector_load %arg19[%swap3A_408] {strides = array<i32>} : memref<16xf32, #tpu.memory_space<vmem>>, vector<16xf32>,
        tpu.vector_store %arg19[%swap3A_408], %add3A_407 {strides = array<i32>} : memref<16xf32, #tpu.memory_space<vmem>>, vector<16xf32>,
        %eq3A_410 = vector.broadcast %add3A_356 : i32 to vector<16xi32>
        %eq3A_411 = arith.cmpi eq, %iota3A_17, %eq3A_410 : vector<16xi32>
        %get3A_412 = arith.constant 0 : index
        %get3A_413 = tpu.vector_load %arg20[%get3A_412] {strides = array<i32>} : memref<16xf32, #tpu.memory_space<vmem>>, vector<16xf32>,
        %broadcast_in_dim3A_414 = vector.broadcast %reduce_max3A_389 : f32 to vector<16xf32>
        %select_n3A_415 = arith.select %eq3A_411, %broadcast_in_dim3A_414, %get3A_413 : vector<16xi1>, vector<16xf32>
        %swap3A_416 = arith.constant 0 : index
        %swap3A_417 = tpu.vector_load %arg20[%swap3A_416] {strides = array<i32>} : memref<16xf32, #tpu.memory_space<vmem>>, vector<16xf32>,
        tpu.vector_store %arg20[%swap3A_416], %select_n3A_415 {strides = array<i32>} : memref<16xf32, #tpu.memory_space<vmem>>, vector<16xf32>,
        %get3A_418 = arith.constant 0 : index
        %get3A_419 = tpu.vector_load %arg19[%get3A_418] {strides = array<i32>} : memref<16xf32, #tpu.memory_space<vmem>>, vector<16xf32>,
        %reduce_sum3A = arith.constant true
        %reduce_sum3A_420 = vector.broadcast %reduce_sum3A : i1 to vector<16xi1>
        %reduce_sum3A_421 = tpu.scan <sum>, %get3A_419 masked %reduce_sum3A_420 : vector<16xf32>, vector<16xi1> -> vector<16xf32>
        %reduce_sum3A_422 = vector.extract %reduce_sum3A_421[15] : f32 from vector<16xf32>
        %get3A_423 = arith.constant 0 : index
        %get3A_424 = tpu.vector_load %arg21[%get3A_423] {strides = array<i32>} : memref<16xf32, #tpu.memory_space<vmem>>, vector<16xf32>,
        %broadcast_in_dim3A_425 = vector.broadcast %reduce_sum3A_422 : f32 to vector<16xf32>
        %select_n3A_426 = arith.select %eq3A_411, %broadcast_in_dim3A_425, %get3A_424 : vector<16xi1>, vector<16xf32>
        %swap3A_427 = arith.constant 0 : index
        %swap3A_428 = tpu.vector_load %arg21[%swap3A_427] {strides = array<i32>} : memref<16xf32, #tpu.memory_space<vmem>>, vector<16xf32>,
        tpu.vector_store %arg21[%swap3A_427], %select_n3A_426 {strides = array<i32>} : memref<16xf32, #tpu.memory_space<vmem>>, vector<16xf32>,
      } else {
      }
    }
    %scan3A_30 = arith.constant 16 : i32
    %get3A = arith.constant 0 : index
    %get3A_31 = tpu.vector_load %arg21[%get3A] {strides = array<i32>} : memref<16xf32, #tpu.memory_space<vmem>>, vector<16xf32>,
    %get3A_32 = arith.constant 0 : index
    %get3A_33 = tpu.vector_load %arg20[%get3A_32] {strides = array<i32>} : memref<16xf32, #tpu.memory_space<vmem>>, vector<16xf32>,
    %bitcast3A = vector.bitcast %get3A_31 : vector<16xf32> to vector<16xi32>
    %shift_right_arithmetic3A = arith.constant 23 : i32
    %shift_right_arithmetic3A_34 = vector.broadcast %shift_right_arithmetic3A : i32 to vector<16xi32>
    %shift_right_arithmetic3A_35 = arith.shrsi %bitcast3A, %shift_right_arithmetic3A_34 : vector<16xi32>
    %and3A = arith.constant 255 : i32
    %and3A_36 = vector.broadcast %and3A : i32 to vector<16xi32>
    %and3A_37 = arith.andi %shift_right_arithmetic3A_35, %and3A_36 : vector<16xi32>
    %sub3A = arith.constant 127 : i32
    %sub3A_38 = vector.broadcast %sub3A : i32 to vector<16xi32>
    %sub3A_39 = arith.subi %and3A_37, %sub3A_38 : vector<16xi32>
    %convert_element_type3A_40 = arith.sitofp %sub3A_39 : vector<16xi32> to vector<16xf32>
    %mul3A_41 = arith.constant 0.693147182 : f32
    %mul3A_42 = vector.broadcast %mul3A_41 : f32 to vector<16xf32>
    %mul3A_43 = arith.mulf %mul3A_42, %convert_element_type3A_40 : vector<16xf32>
    %neg3A = arith.constant 0.000000e+00 : f32
    %neg3A_44 = vector.broadcast %neg3A : f32 to vector<16xf32>
    %neg3A_45 = arith.subf %neg3A_44, %mul3A_43 : vector<16xf32>
    %exp3A = math.exp %neg3A_45 : vector<16xf32>
    %mul3A_46 = arith.mulf %get3A_31, %exp3A : vector<16xf32>
    %add3A_47 = arith.addf %mul3A_43, %mul3A_46 : vector<16xf32>
    %sub3A_48 = arith.constant 1.000000e+00 : f32
    %sub3A_49 = vector.broadcast %sub3A_48 : f32 to vector<16xf32>
    %sub3A_50 = arith.subf %add3A_47, %sub3A_49 : vector<16xf32>
    %neg3A_51 = arith.constant 0.000000e+00 : f32
    %neg3A_52 = vector.broadcast %neg3A_51 : f32 to vector<16xf32>
    %neg3A_53 = arith.subf %neg3A_52, %sub3A_50 : vector<16xf32>
    %exp3A_54 = math.exp %neg3A_53 : vector<16xf32>
    %mul3A_55 = arith.mulf %get3A_31, %exp3A_54 : vector<16xf32>
    %add3A_56 = arith.addf %sub3A_50, %mul3A_55 : vector<16xf32>
    %sub3A_57 = arith.constant 1.000000e+00 : f32
    %sub3A_58 = vector.broadcast %sub3A_57 : f32 to vector<16xf32>
    %sub3A_59 = arith.subf %add3A_56, %sub3A_58 : vector<16xf32>
    %neg3A_60 = arith.constant 0.000000e+00 : f32
    %neg3A_61 = vector.broadcast %neg3A_60 : f32 to vector<16xf32>
    %neg3A_62 = arith.subf %neg3A_61, %sub3A_59 : vector<16xf32>
    %exp3A_63 = math.exp %neg3A_62 : vector<16xf32>
    %mul3A_64 = arith.mulf %get3A_31, %exp3A_63 : vector<16xf32>
    %add3A_65 = arith.addf %sub3A_59, %mul3A_64 : vector<16xf32>
    %sub3A_66 = arith.constant 1.000000e+00 : f32
    %sub3A_67 = vector.broadcast %sub3A_66 : f32 to vector<16xf32>
    %sub3A_68 = arith.subf %add3A_65, %sub3A_67 : vector<16xf32>
    %neg3A_69 = arith.constant 0.000000e+00 : f32
    %neg3A_70 = vector.broadcast %neg3A_69 : f32 to vector<16xf32>
    %neg3A_71 = arith.subf %neg3A_70, %sub3A_68 : vector<16xf32>
    %exp3A_72 = math.exp %neg3A_71 : vector<16xf32>
    %mul3A_73 = arith.mulf %get3A_31, %exp3A_72 : vector<16xf32>
    %add3A_74 = arith.addf %sub3A_68, %mul3A_73 : vector<16xf32>
    %sub3A_75 = arith.constant 1.000000e+00 : f32
    %sub3A_76 = vector.broadcast %sub3A_75 : f32 to vector<16xf32>
    %sub3A_77 = arith.subf %add3A_74, %sub3A_76 : vector<16xf32>
    %neg3A_78 = arith.constant 0.000000e+00 : f32
    %neg3A_79 = vector.broadcast %neg3A_78 : f32 to vector<16xf32>
    %neg3A_80 = arith.subf %neg3A_79, %sub3A_77 : vector<16xf32>
    %exp3A_81 = math.exp %neg3A_80 : vector<16xf32>
    %mul3A_82 = arith.mulf %get3A_31, %exp3A_81 : vector<16xf32>
    %add3A_83 = arith.addf %sub3A_77, %mul3A_82 : vector<16xf32>
    %sub3A_84 = arith.constant 1.000000e+00 : f32
    %sub3A_85 = vector.broadcast %sub3A_84 : f32 to vector<16xf32>
    %sub3A_86 = arith.subf %add3A_83, %sub3A_85 : vector<16xf32>
    %add3A_87 = arith.addf %get3A_33, %sub3A_86 : vector<16xf32>
    %swap3A_88 = arith.constant 0 : index
    %swap3A_89 = tpu.vector_load %arg22[%swap3A_88] {strides = array<i32>} : memref<64xf32, #tpu.memory_space<vmem>>, vector<16xf32>,
    tpu.vector_store %arg22[%swap3A_88], %add3A_87 {strides = array<i32>} : memref<64xf32, #tpu.memory_space<vmem>>, vector<16xf32>,
    %broadcast_in_dim3A_90 = arith.constant 0.000000e+00 : f32
    %broadcast_in_dim3A_91 = vector.broadcast %broadcast_in_dim3A_90 : f32 to vector<16xf32>
    %swap3A_92 = arith.constant 0 : index
    %swap3A_93 = tpu.vector_load %arg20[%swap3A_92] {strides = array<i32>} : memref<16xf32, #tpu.memory_space<vmem>>, vector<16xf32>,
    tpu.vector_store %arg20[%swap3A_92], %broadcast_in_dim3A_91 {strides = array<i32>} : memref<16xf32, #tpu.memory_space<vmem>>, vector<16xf32>,
    %broadcast_in_dim3A_94 = arith.constant 2.000000e+00 : f32
    %broadcast_in_dim3A_95 = vector.broadcast %broadcast_in_dim3A_94 : f32 to vector<16xf32>
    %swap3A_96 = arith.constant 0 : index
    %swap3A_97 = tpu.vector_load %arg21[%swap3A_96] {strides = array<i32>} : memref<16xf32, #tpu.memory_space<vmem>>, vector<16xf32>,
    tpu.vector_store %arg21[%swap3A_96], %broadcast_in_dim3A_95 {strides = array<i32>} : memref<16xf32, #tpu.memory_space<vmem>>, vector<16xf32>,
    %scan3A_98 = arith.constant 0 : i32
    %scan3A_99 = arith.constant 16 : i32
    %scan3A_100 = arith.addi %scan3A_98, %scan3A_99 : i32
    %scan3A_101 = arith.constant 1 : i32
    scf.for %scan3A_352 = %scan3A_98 to %scan3A_100 step %scan3A_101  : i32 {
      %mul3A_353 = arith.constant 1 : i32
      %mul3A_354 = arith.muli %scan3A_352, %mul3A_353 : i32
      %add3A_355 = arith.constant 0 : i32
      %add3A_356 = arith.addi %add3A_355, %mul3A_354 : i32
      %mul3A_357 = arith.constant 64 : i32
      %mul3A_358 = arith.muli %arg1, %mul3A_357 : i32
      %add3A_359 = arith.constant 16 : i32
      %add3A_360 = arith.addi %mul3A_358, %add3A_359 : i32
      %add3A_361 = arith.addi %add3A_360, %add3A_356 : i32
      %lt3A_362 = arith.constant 1000 : i32
      %lt3A_363 = arith.cmpi slt, %add3A_361, %lt3A_362 : i32
      %convert_element_type3A_364 = arith.extui %lt3A_363 : i1 to i32
      %cond3A_365 = arith.constant 0 : i32
      %cond3A_366 = arith.cmpi ne, %convert_element_type3A_364, %cond3A_365 : i32
      scf.if %cond3A_366 {
        %mul3A_367 = arith.constant 1000 : i32
        %mul3A_368 = arith.muli %add3A_361, %mul3A_367 : i32
        "tpu.region"() ({
          %run_scoped3A = tpu.sem_alloc : memref<!tpu.dma_semaphore, #tpu.memory_space<semaphore_mem>>
          %dma_start3A = tpu.memref_slice %arg6[%mul3A_368] : memref<1000000xf32, #tpu.memory_space<vmem_shared>> -> memref<1000xf32, #tpu.memory_space<vmem_shared>>
          %dma_start3A_429 = tpu.memref_slice %arg6[%mul3A_368] : memref<1000000xf32, #tpu.memory_space<vmem_shared>> -> memref<1000xf32, #tpu.memory_space<vmem_shared>>
          tpu.enqueue_dma source(%dma_start3A_429 : memref<1000xf32, #tpu.memory_space<vmem_shared>>) target(%arg17 : memref<1000xf32, #tpu.memory_space<vmem>>) target_semaphore(%run_scoped3A : memref<!tpu.dma_semaphore, #tpu.memory_space<semaphore_mem>>)
          %dma_wait3A = tpu.memref_slice %arg6[%mul3A_368] : memref<1000000xf32, #tpu.memory_space<vmem_shared>> -> memref<1000xf32, #tpu.memory_space<vmem_shared>>
          %dma_wait3A_430 = tpu.memref_slice %arg6[%mul3A_368] : memref<1000000xf32, #tpu.memory_space<vmem_shared>> -> memref<1000xf32, #tpu.memory_space<vmem_shared>>
          tpu.wait_dma2 semaphore(%run_scoped3A : memref<!tpu.dma_semaphore, #tpu.memory_space<semaphore_mem>>) src(%dma_wait3A_430 : memref<1000xf32, #tpu.memory_space<vmem_shared>>) dst(%arg17 : memref<1000xf32, #tpu.memory_space<vmem>>)
          tpu.yield
        }) : () -> ()
        %get3A_369 = arith.constant 0 : index
        %get3A_370 = tpu.vector_load %arg17[%get3A_369] {strides = array<i32>} : memref<1000xf32, #tpu.memory_space<vmem>>, vector<16xf32>,
        %swap3A_371 = arith.constant 0 : index
        %swap3A_372 = tpu.vector_load %arg18[%swap3A_371] {strides = array<i32>} : memref<16xf32, #tpu.memory_space<vmem>>, vector<16xf32>,
        tpu.vector_store %arg18[%swap3A_371], %get3A_370 {strides = array<i32>} : memref<16xf32, #tpu.memory_space<vmem>>, vector<16xf32>,
        %scan3A_373 = arith.constant 0 : i32
        %scan3A_374 = arith.constant 61 : i32
        %scan3A_375 = arith.addi %scan3A_373, %scan3A_374 : i32
        %scan3A_376 = arith.constant 1 : i32
        scf.for %scan3A_429 = %scan3A_373 to %scan3A_375 step %scan3A_376  : i32 {
          %mul3A_430 = arith.constant 1 : i32
          %mul3A_431 = arith.muli %scan3A_429, %mul3A_430 : i32
          %add3A_432 = arith.constant 1 : i32
          %add3A_433 = arith.addi %add3A_432, %mul3A_431 : i32
          %get3A_434 = arith.constant 0 : index
          %get3A_435 = tpu.vector_load %arg18[%get3A_434] {strides = array<i32>} : memref<16xf32, #tpu.memory_space<vmem>>, vector<16xf32>,
          %mul3A_436 = arith.constant 16 : i32
          %mul3A_437 = arith.muli %add3A_433, %mul3A_436 : i32
          %get3A_438 = arith.index_cast %mul3A_437 : i32 to index
          %get3A_439 = tpu.vector_load %arg17[%get3A_438] {strides = array<i32>} : memref<1000xf32, #tpu.memory_space<vmem>>, vector<16xf32>,
          %max3A_440 = arith.maximumf %get3A_435, %get3A_439 : vector<16xf32>
          %swap3A_441 = arith.constant 0 : index
          %swap3A_442 = tpu.vector_load %arg18[%swap3A_441] {strides = array<i32>} : memref<16xf32, #tpu.memory_space<vmem>>, vector<16xf32>,
          tpu.vector_store %arg18[%swap3A_441], %max3A_440 {strides = array<i32>} : memref<16xf32, #tpu.memory_space<vmem>>, vector<16xf32>,
        }
        %scan3A_377 = arith.constant 61 : i32
        %get3A_378 = arith.constant 984 : index
        %get3A_379 = tpu.vector_load %arg17[%get3A_378] {strides = array<i32>} : memref<1000xf32, #tpu.memory_space<vmem>>, vector<16xf32>,
        %get3A_380 = arith.constant 0 : index
        %get3A_381 = tpu.vector_load %arg18[%get3A_380] {strides = array<i32>} : memref<16xf32, #tpu.memory_space<vmem>>, vector<16xf32>,
        %jit3A = arith.constant -3.000000e+38 : f32
        %broadcast_in_dim3A_382 = vector.broadcast %jit3A : f32 to vector<16xf32>
        %select_n3A = arith.select %ge3A_16, %get3A_379, %broadcast_in_dim3A_382 : vector<16xi1>, vector<16xf32>
        %max3A = arith.maximumf %get3A_381, %select_n3A : vector<16xf32>
        %swap3A_383 = arith.constant 0 : index
        %swap3A_384 = tpu.vector_load %arg18[%swap3A_383] {strides = array<i32>} : memref<16xf32, #tpu.memory_space<vmem>>, vector<16xf32>,
        tpu.vector_store %arg18[%swap3A_383], %max3A {strides = array<i32>} : memref<16xf32, #tpu.memory_space<vmem>>, vector<16xf32>,
        %get3A_385 = arith.constant 0 : index
        %get3A_386 = tpu.vector_load %arg18[%get3A_385] {strides = array<i32>} : memref<16xf32, #tpu.memory_space<vmem>>, vector<16xf32>,
        %reduce_max3A = arith.constant true
        %reduce_max3A_387 = vector.broadcast %reduce_max3A : i1 to vector<16xi1>
        %reduce_max3A_388 = tpu.scan <max>, %get3A_386 masked %reduce_max3A_387 : vector<16xf32>, vector<16xi1> -> vector<16xf32>
        %reduce_max3A_389 = vector.extract %reduce_max3A_388[15] : f32 from vector<16xf32>
        %broadcast_in_dim3A_390 = arith.constant 0.000000e+00 : f32
        %broadcast_in_dim3A_391 = vector.broadcast %broadcast_in_dim3A_390 : f32 to vector<16xf32>
        %swap3A_392 = arith.constant 0 : index
        %swap3A_393 = tpu.vector_load %arg19[%swap3A_392] {strides = array<i32>} : memref<16xf32, #tpu.memory_space<vmem>>, vector<16xf32>,
        tpu.vector_store %arg19[%swap3A_392], %broadcast_in_dim3A_391 {strides = array<i32>} : memref<16xf32, #tpu.memory_space<vmem>>, vector<16xf32>,
        %scan3A_394 = arith.constant 0 : i32
        %scan3A_395 = arith.constant 62 : i32
        %scan3A_396 = arith.addi %scan3A_394, %scan3A_395 : i32
        %scan3A_397 = arith.constant 1 : i32
        scf.for %scan3A_429 = %scan3A_394 to %scan3A_396 step %scan3A_397  : i32 {
          %mul3A_430 = arith.constant 1 : i32
          %mul3A_431 = arith.muli %scan3A_429, %mul3A_430 : i32
          %add3A_432 = arith.constant 0 : i32
          %add3A_433 = arith.addi %add3A_432, %mul3A_431 : i32
          %get3A_434 = arith.constant 0 : index
          %get3A_435 = tpu.vector_load %arg19[%get3A_434] {strides = array<i32>} : memref<16xf32, #tpu.memory_space<vmem>>, vector<16xf32>,
          %mul3A_436 = arith.constant 16 : i32
          %mul3A_437 = arith.muli %add3A_433, %mul3A_436 : i32
          %get3A_438 = arith.index_cast %mul3A_437 : i32 to index
          %get3A_439 = tpu.vector_load %arg17[%get3A_438] {strides = array<i32>} : memref<1000xf32, #tpu.memory_space<vmem>>, vector<16xf32>,
          %sub3A_440 = vector.broadcast %reduce_max3A_389 : f32 to vector<16xf32>
          %sub3A_441 = arith.subf %get3A_439, %sub3A_440 : vector<16xf32>
          %exp3A_442 = math.exp %sub3A_441 : vector<16xf32>
          %add3A_443 = arith.addf %get3A_435, %exp3A_442 : vector<16xf32>
          %swap3A_444 = arith.constant 0 : index
          %swap3A_445 = tpu.vector_load %arg19[%swap3A_444] {strides = array<i32>} : memref<16xf32, #tpu.memory_space<vmem>>, vector<16xf32>,
          tpu.vector_store %arg19[%swap3A_444], %add3A_443 {strides = array<i32>} : memref<16xf32, #tpu.memory_space<vmem>>, vector<16xf32>,
        }
        %scan3A_398 = arith.constant 62 : i32
        %get3A_399 = arith.constant 0 : index
        %get3A_400 = tpu.vector_load %arg19[%get3A_399] {strides = array<i32>} : memref<16xf32, #tpu.memory_space<vmem>>, vector<16xf32>,
        %sub3A_401 = vector.broadcast %reduce_max3A_389 : f32 to vector<16xf32>
        %sub3A_402 = arith.subf %get3A_379, %sub3A_401 : vector<16xf32>
        %exp3A_403 = math.exp %sub3A_402 : vector<16xf32>
        %jit3A_404 = arith.constant 0.000000e+00 : f32
        %broadcast_in_dim3A_405 = vector.broadcast %jit3A_404 : f32 to vector<16xf32>
        %select_n3A_406 = arith.select %ge3A_16, %exp3A_403, %broadcast_in_dim3A_405 : vector<16xi1>, vector<16xf32>
        %add3A_407 = arith.addf %get3A_400, %select_n3A_406 : vector<16xf32>
        %swap3A_408 = arith.constant 0 : index
        %swap3A_409 = tpu.vector_load %arg19[%swap3A_408] {strides = array<i32>} : memref<16xf32, #tpu.memory_space<vmem>>, vector<16xf32>,
        tpu.vector_store %arg19[%swap3A_408], %add3A_407 {strides = array<i32>} : memref<16xf32, #tpu.memory_space<vmem>>, vector<16xf32>,
        %eq3A_410 = vector.broadcast %add3A_356 : i32 to vector<16xi32>
        %eq3A_411 = arith.cmpi eq, %iota3A_17, %eq3A_410 : vector<16xi32>
        %get3A_412 = arith.constant 0 : index
        %get3A_413 = tpu.vector_load %arg20[%get3A_412] {strides = array<i32>} : memref<16xf32, #tpu.memory_space<vmem>>, vector<16xf32>,
        %broadcast_in_dim3A_414 = vector.broadcast %reduce_max3A_389 : f32 to vector<16xf32>
        %select_n3A_415 = arith.select %eq3A_411, %broadcast_in_dim3A_414, %get3A_413 : vector<16xi1>, vector<16xf32>
        %swap3A_416 = arith.constant 0 : index
        %swap3A_417 = tpu.vector_load %arg20[%swap3A_416] {strides = array<i32>} : memref<16xf32, #tpu.memory_space<vmem>>, vector<16xf32>,
        tpu.vector_store %arg20[%swap3A_416], %select_n3A_415 {strides = array<i32>} : memref<16xf32, #tpu.memory_space<vmem>>, vector<16xf32>,
        %get3A_418 = arith.constant 0 : index
        %get3A_419 = tpu.vector_load %arg19[%get3A_418] {strides = array<i32>} : memref<16xf32, #tpu.memory_space<vmem>>, vector<16xf32>,
        %reduce_sum3A = arith.constant true
        %reduce_sum3A_420 = vector.broadcast %reduce_sum3A : i1 to vector<16xi1>
        %reduce_sum3A_421 = tpu.scan <sum>, %get3A_419 masked %reduce_sum3A_420 : vector<16xf32>, vector<16xi1> -> vector<16xf32>
        %reduce_sum3A_422 = vector.extract %reduce_sum3A_421[15] : f32 from vector<16xf32>
        %get3A_423 = arith.constant 0 : index
        %get3A_424 = tpu.vector_load %arg21[%get3A_423] {strides = array<i32>} : memref<16xf32, #tpu.memory_space<vmem>>, vector<16xf32>,
        %broadcast_in_dim3A_425 = vector.broadcast %reduce_sum3A_422 : f32 to vector<16xf32>
        %select_n3A_426 = arith.select %eq3A_411, %broadcast_in_dim3A_425, %get3A_424 : vector<16xi1>, vector<16xf32>
        %swap3A_427 = arith.constant 0 : index
        %swap3A_428 = tpu.vector_load %arg21[%swap3A_427] {strides = array<i32>} : memref<16xf32, #tpu.memory_space<vmem>>, vector<16xf32>,
        tpu.vector_store %arg21[%swap3A_427], %select_n3A_426 {strides = array<i32>} : memref<16xf32, #tpu.memory_space<vmem>>, vector<16xf32>,
      } else {
      }
    }
    %scan3A_102 = arith.constant 16 : i32
    %get3A_103 = arith.constant 0 : index
    %get3A_104 = tpu.vector_load %arg21[%get3A_103] {strides = array<i32>} : memref<16xf32, #tpu.memory_space<vmem>>, vector<16xf32>,
    %get3A_105 = arith.constant 0 : index
    %get3A_106 = tpu.vector_load %arg20[%get3A_105] {strides = array<i32>} : memref<16xf32, #tpu.memory_space<vmem>>, vector<16xf32>,
    %bitcast3A_107 = vector.bitcast %get3A_104 : vector<16xf32> to vector<16xi32>
    %shift_right_arithmetic3A_108 = arith.constant 23 : i32
    %shift_right_arithmetic3A_109 = vector.broadcast %shift_right_arithmetic3A_108 : i32 to vector<16xi32>
    %shift_right_arithmetic3A_110 = arith.shrsi %bitcast3A_107, %shift_right_arithmetic3A_109 : vector<16xi32>
    %and3A_111 = arith.constant 255 : i32
    %and3A_112 = vector.broadcast %and3A_111 : i32 to vector<16xi32>
    %and3A_113 = arith.andi %shift_right_arithmetic3A_110, %and3A_112 : vector<16xi32>
    %sub3A_114 = arith.constant 127 : i32
    %sub3A_115 = vector.broadcast %sub3A_114 : i32 to vector<16xi32>
    %sub3A_116 = arith.subi %and3A_113, %sub3A_115 : vector<16xi32>
    %convert_element_type3A_117 = arith.sitofp %sub3A_116 : vector<16xi32> to vector<16xf32>
    %mul3A_118 = arith.constant 0.693147182 : f32
    %mul3A_119 = vector.broadcast %mul3A_118 : f32 to vector<16xf32>
    %mul3A_120 = arith.mulf %mul3A_119, %convert_element_type3A_117 : vector<16xf32>
    %neg3A_121 = arith.constant 0.000000e+00 : f32
    %neg3A_122 = vector.broadcast %neg3A_121 : f32 to vector<16xf32>
    %neg3A_123 = arith.subf %neg3A_122, %mul3A_120 : vector<16xf32>
    %exp3A_124 = math.exp %neg3A_123 : vector<16xf32>
    %mul3A_125 = arith.mulf %get3A_104, %exp3A_124 : vector<16xf32>
    %add3A_126 = arith.addf %mul3A_120, %mul3A_125 : vector<16xf32>
    %sub3A_127 = arith.constant 1.000000e+00 : f32
    %sub3A_128 = vector.broadcast %sub3A_127 : f32 to vector<16xf32>
    %sub3A_129 = arith.subf %add3A_126, %sub3A_128 : vector<16xf32>
    %neg3A_130 = arith.constant 0.000000e+00 : f32
    %neg3A_131 = vector.broadcast %neg3A_130 : f32 to vector<16xf32>
    %neg3A_132 = arith.subf %neg3A_131, %sub3A_129 : vector<16xf32>
    %exp3A_133 = math.exp %neg3A_132 : vector<16xf32>
    %mul3A_134 = arith.mulf %get3A_104, %exp3A_133 : vector<16xf32>
    %add3A_135 = arith.addf %sub3A_129, %mul3A_134 : vector<16xf32>
    %sub3A_136 = arith.constant 1.000000e+00 : f32
    %sub3A_137 = vector.broadcast %sub3A_136 : f32 to vector<16xf32>
    %sub3A_138 = arith.subf %add3A_135, %sub3A_137 : vector<16xf32>
    %neg3A_139 = arith.constant 0.000000e+00 : f32
    %neg3A_140 = vector.broadcast %neg3A_139 : f32 to vector<16xf32>
    %neg3A_141 = arith.subf %neg3A_140, %sub3A_138 : vector<16xf32>
    %exp3A_142 = math.exp %neg3A_141 : vector<16xf32>
    %mul3A_143 = arith.mulf %get3A_104, %exp3A_142 : vector<16xf32>
    %add3A_144 = arith.addf %sub3A_138, %mul3A_143 : vector<16xf32>
    %sub3A_145 = arith.constant 1.000000e+00 : f32
    %sub3A_146 = vector.broadcast %sub3A_145 : f32 to vector<16xf32>
    %sub3A_147 = arith.subf %add3A_144, %sub3A_146 : vector<16xf32>
    %neg3A_148 = arith.constant 0.000000e+00 : f32
    %neg3A_149 = vector.broadcast %neg3A_148 : f32 to vector<16xf32>
    %neg3A_150 = arith.subf %neg3A_149, %sub3A_147 : vector<16xf32>
    %exp3A_151 = math.exp %neg3A_150 : vector<16xf32>
    %mul3A_152 = arith.mulf %get3A_104, %exp3A_151 : vector<16xf32>
    %add3A_153 = arith.addf %sub3A_147, %mul3A_152 : vector<16xf32>
    %sub3A_154 = arith.constant 1.000000e+00 : f32
    %sub3A_155 = vector.broadcast %sub3A_154 : f32 to vector<16xf32>
    %sub3A_156 = arith.subf %add3A_153, %sub3A_155 : vector<16xf32>
    %neg3A_157 = arith.constant 0.000000e+00 : f32
    %neg3A_158 = vector.broadcast %neg3A_157 : f32 to vector<16xf32>
    %neg3A_159 = arith.subf %neg3A_158, %sub3A_156 : vector<16xf32>
    %exp3A_160 = math.exp %neg3A_159 : vector<16xf32>
    %mul3A_161 = arith.mulf %get3A_104, %exp3A_160 : vector<16xf32>
    %add3A_162 = arith.addf %sub3A_156, %mul3A_161 : vector<16xf32>
    %sub3A_163 = arith.constant 1.000000e+00 : f32
    %sub3A_164 = vector.broadcast %sub3A_163 : f32 to vector<16xf32>
    %sub3A_165 = arith.subf %add3A_162, %sub3A_164 : vector<16xf32>
    %add3A_166 = arith.addf %get3A_106, %sub3A_165 : vector<16xf32>
    %swap3A_167 = arith.constant 16 : index
    %swap3A_168 = tpu.vector_load %arg22[%swap3A_167] {strides = array<i32>} : memref<64xf32, #tpu.memory_space<vmem>>, vector<16xf32>,
    tpu.vector_store %arg22[%swap3A_167], %add3A_166 {strides = array<i32>} : memref<64xf32, #tpu.memory_space<vmem>>, vector<16xf32>,
    %broadcast_in_dim3A_169 = arith.constant 0.000000e+00 : f32
    %broadcast_in_dim3A_170 = vector.broadcast %broadcast_in_dim3A_169 : f32 to vector<16xf32>
    %swap3A_171 = arith.constant 0 : index
    %swap3A_172 = tpu.vector_load %arg20[%swap3A_171] {strides = array<i32>} : memref<16xf32, #tpu.memory_space<vmem>>, vector<16xf32>,
    tpu.vector_store %arg20[%swap3A_171], %broadcast_in_dim3A_170 {strides = array<i32>} : memref<16xf32, #tpu.memory_space<vmem>>, vector<16xf32>,
    %broadcast_in_dim3A_173 = arith.constant 2.000000e+00 : f32
    %broadcast_in_dim3A_174 = vector.broadcast %broadcast_in_dim3A_173 : f32 to vector<16xf32>
    %swap3A_175 = arith.constant 0 : index
    %swap3A_176 = tpu.vector_load %arg21[%swap3A_175] {strides = array<i32>} : memref<16xf32, #tpu.memory_space<vmem>>, vector<16xf32>,
    tpu.vector_store %arg21[%swap3A_175], %broadcast_in_dim3A_174 {strides = array<i32>} : memref<16xf32, #tpu.memory_space<vmem>>, vector<16xf32>,
    %scan3A_177 = arith.constant 0 : i32
    %scan3A_178 = arith.constant 16 : i32
    %scan3A_179 = arith.addi %scan3A_177, %scan3A_178 : i32
    %scan3A_180 = arith.constant 1 : i32
    scf.for %scan3A_352 = %scan3A_177 to %scan3A_179 step %scan3A_180  : i32 {
      %mul3A_353 = arith.constant 1 : i32
      %mul3A_354 = arith.muli %scan3A_352, %mul3A_353 : i32
      %add3A_355 = arith.constant 0 : i32
      %add3A_356 = arith.addi %add3A_355, %mul3A_354 : i32
      %mul3A_357 = arith.constant 64 : i32
      %mul3A_358 = arith.muli %arg1, %mul3A_357 : i32
      %add3A_359 = arith.constant 32 : i32
      %add3A_360 = arith.addi %mul3A_358, %add3A_359 : i32
      %add3A_361 = arith.addi %add3A_360, %add3A_356 : i32
      %lt3A_362 = arith.constant 1000 : i32
      %lt3A_363 = arith.cmpi slt, %add3A_361, %lt3A_362 : i32
      %convert_element_type3A_364 = arith.extui %lt3A_363 : i1 to i32
      %cond3A_365 = arith.constant 0 : i32
      %cond3A_366 = arith.cmpi ne, %convert_element_type3A_364, %cond3A_365 : i32
      scf.if %cond3A_366 {
        %mul3A_367 = arith.constant 1000 : i32
        %mul3A_368 = arith.muli %add3A_361, %mul3A_367 : i32
        "tpu.region"() ({
          %run_scoped3A = tpu.sem_alloc : memref<!tpu.dma_semaphore, #tpu.memory_space<semaphore_mem>>
          %dma_start3A = tpu.memref_slice %arg6[%mul3A_368] : memref<1000000xf32, #tpu.memory_space<vmem_shared>> -> memref<1000xf32, #tpu.memory_space<vmem_shared>>
          %dma_start3A_429 = tpu.memref_slice %arg6[%mul3A_368] : memref<1000000xf32, #tpu.memory_space<vmem_shared>> -> memref<1000xf32, #tpu.memory_space<vmem_shared>>
          tpu.enqueue_dma source(%dma_start3A_429 : memref<1000xf32, #tpu.memory_space<vmem_shared>>) target(%arg17 : memref<1000xf32, #tpu.memory_space<vmem>>) target_semaphore(%run_scoped3A : memref<!tpu.dma_semaphore, #tpu.memory_space<semaphore_mem>>)
          %dma_wait3A = tpu.memref_slice %arg6[%mul3A_368] : memref<1000000xf32, #tpu.memory_space<vmem_shared>> -> memref<1000xf32, #tpu.memory_space<vmem_shared>>
          %dma_wait3A_430 = tpu.memref_slice %arg6[%mul3A_368] : memref<1000000xf32, #tpu.memory_space<vmem_shared>> -> memref<1000xf32, #tpu.memory_space<vmem_shared>>
          tpu.wait_dma2 semaphore(%run_scoped3A : memref<!tpu.dma_semaphore, #tpu.memory_space<semaphore_mem>>) src(%dma_wait3A_430 : memref<1000xf32, #tpu.memory_space<vmem_shared>>) dst(%arg17 : memref<1000xf32, #tpu.memory_space<vmem>>)
          tpu.yield
        }) : () -> ()
        %get3A_369 = arith.constant 0 : index
        %get3A_370 = tpu.vector_load %arg17[%get3A_369] {strides = array<i32>} : memref<1000xf32, #tpu.memory_space<vmem>>, vector<16xf32>,
        %swap3A_371 = arith.constant 0 : index
        %swap3A_372 = tpu.vector_load %arg18[%swap3A_371] {strides = array<i32>} : memref<16xf32, #tpu.memory_space<vmem>>, vector<16xf32>,
        tpu.vector_store %arg18[%swap3A_371], %get3A_370 {strides = array<i32>} : memref<16xf32, #tpu.memory_space<vmem>>, vector<16xf32>,
        %scan3A_373 = arith.constant 0 : i32
        %scan3A_374 = arith.constant 61 : i32
        %scan3A_375 = arith.addi %scan3A_373, %scan3A_374 : i32
        %scan3A_376 = arith.constant 1 : i32
        scf.for %scan3A_429 = %scan3A_373 to %scan3A_375 step %scan3A_376  : i32 {
          %mul3A_430 = arith.constant 1 : i32
          %mul3A_431 = arith.muli %scan3A_429, %mul3A_430 : i32
          %add3A_432 = arith.constant 1 : i32
          %add3A_433 = arith.addi %add3A_432, %mul3A_431 : i32
          %get3A_434 = arith.constant 0 : index
          %get3A_435 = tpu.vector_load %arg18[%get3A_434] {strides = array<i32>} : memref<16xf32, #tpu.memory_space<vmem>>, vector<16xf32>,
          %mul3A_436 = arith.constant 16 : i32
          %mul3A_437 = arith.muli %add3A_433, %mul3A_436 : i32
          %get3A_438 = arith.index_cast %mul3A_437 : i32 to index
          %get3A_439 = tpu.vector_load %arg17[%get3A_438] {strides = array<i32>} : memref<1000xf32, #tpu.memory_space<vmem>>, vector<16xf32>,
          %max3A_440 = arith.maximumf %get3A_435, %get3A_439 : vector<16xf32>
          %swap3A_441 = arith.constant 0 : index
          %swap3A_442 = tpu.vector_load %arg18[%swap3A_441] {strides = array<i32>} : memref<16xf32, #tpu.memory_space<vmem>>, vector<16xf32>,
          tpu.vector_store %arg18[%swap3A_441], %max3A_440 {strides = array<i32>} : memref<16xf32, #tpu.memory_space<vmem>>, vector<16xf32>,
        }
        %scan3A_377 = arith.constant 61 : i32
        %get3A_378 = arith.constant 984 : index
        %get3A_379 = tpu.vector_load %arg17[%get3A_378] {strides = array<i32>} : memref<1000xf32, #tpu.memory_space<vmem>>, vector<16xf32>,
        %get3A_380 = arith.constant 0 : index
        %get3A_381 = tpu.vector_load %arg18[%get3A_380] {strides = array<i32>} : memref<16xf32, #tpu.memory_space<vmem>>, vector<16xf32>,
        %jit3A = arith.constant -3.000000e+38 : f32
        %broadcast_in_dim3A_382 = vector.broadcast %jit3A : f32 to vector<16xf32>
        %select_n3A = arith.select %ge3A_16, %get3A_379, %broadcast_in_dim3A_382 : vector<16xi1>, vector<16xf32>
        %max3A = arith.maximumf %get3A_381, %select_n3A : vector<16xf32>
        %swap3A_383 = arith.constant 0 : index
        %swap3A_384 = tpu.vector_load %arg18[%swap3A_383] {strides = array<i32>} : memref<16xf32, #tpu.memory_space<vmem>>, vector<16xf32>,
        tpu.vector_store %arg18[%swap3A_383], %max3A {strides = array<i32>} : memref<16xf32, #tpu.memory_space<vmem>>, vector<16xf32>,
        %get3A_385 = arith.constant 0 : index
        %get3A_386 = tpu.vector_load %arg18[%get3A_385] {strides = array<i32>} : memref<16xf32, #tpu.memory_space<vmem>>, vector<16xf32>,
        %reduce_max3A = arith.constant true
        %reduce_max3A_387 = vector.broadcast %reduce_max3A : i1 to vector<16xi1>
        %reduce_max3A_388 = tpu.scan <max>, %get3A_386 masked %reduce_max3A_387 : vector<16xf32>, vector<16xi1> -> vector<16xf32>
        %reduce_max3A_389 = vector.extract %reduce_max3A_388[15] : f32 from vector<16xf32>
        %broadcast_in_dim3A_390 = arith.constant 0.000000e+00 : f32
        %broadcast_in_dim3A_391 = vector.broadcast %broadcast_in_dim3A_390 : f32 to vector<16xf32>
        %swap3A_392 = arith.constant 0 : index
        %swap3A_393 = tpu.vector_load %arg19[%swap3A_392] {strides = array<i32>} : memref<16xf32, #tpu.memory_space<vmem>>, vector<16xf32>,
        tpu.vector_store %arg19[%swap3A_392], %broadcast_in_dim3A_391 {strides = array<i32>} : memref<16xf32, #tpu.memory_space<vmem>>, vector<16xf32>,
        %scan3A_394 = arith.constant 0 : i32
        %scan3A_395 = arith.constant 62 : i32
        %scan3A_396 = arith.addi %scan3A_394, %scan3A_395 : i32
        %scan3A_397 = arith.constant 1 : i32
        scf.for %scan3A_429 = %scan3A_394 to %scan3A_396 step %scan3A_397  : i32 {
          %mul3A_430 = arith.constant 1 : i32
          %mul3A_431 = arith.muli %scan3A_429, %mul3A_430 : i32
          %add3A_432 = arith.constant 0 : i32
          %add3A_433 = arith.addi %add3A_432, %mul3A_431 : i32
          %get3A_434 = arith.constant 0 : index
          %get3A_435 = tpu.vector_load %arg19[%get3A_434] {strides = array<i32>} : memref<16xf32, #tpu.memory_space<vmem>>, vector<16xf32>,
          %mul3A_436 = arith.constant 16 : i32
          %mul3A_437 = arith.muli %add3A_433, %mul3A_436 : i32
          %get3A_438 = arith.index_cast %mul3A_437 : i32 to index
          %get3A_439 = tpu.vector_load %arg17[%get3A_438] {strides = array<i32>} : memref<1000xf32, #tpu.memory_space<vmem>>, vector<16xf32>,
          %sub3A_440 = vector.broadcast %reduce_max3A_389 : f32 to vector<16xf32>
          %sub3A_441 = arith.subf %get3A_439, %sub3A_440 : vector<16xf32>
          %exp3A_442 = math.exp %sub3A_441 : vector<16xf32>
          %add3A_443 = arith.addf %get3A_435, %exp3A_442 : vector<16xf32>
          %swap3A_444 = arith.constant 0 : index
          %swap3A_445 = tpu.vector_load %arg19[%swap3A_444] {strides = array<i32>} : memref<16xf32, #tpu.memory_space<vmem>>, vector<16xf32>,
          tpu.vector_store %arg19[%swap3A_444], %add3A_443 {strides = array<i32>} : memref<16xf32, #tpu.memory_space<vmem>>, vector<16xf32>,
        }
        %scan3A_398 = arith.constant 62 : i32
        %get3A_399 = arith.constant 0 : index
        %get3A_400 = tpu.vector_load %arg19[%get3A_399] {strides = array<i32>} : memref<16xf32, #tpu.memory_space<vmem>>, vector<16xf32>,
        %sub3A_401 = vector.broadcast %reduce_max3A_389 : f32 to vector<16xf32>
        %sub3A_402 = arith.subf %get3A_379, %sub3A_401 : vector<16xf32>
        %exp3A_403 = math.exp %sub3A_402 : vector<16xf32>
        %jit3A_404 = arith.constant 0.000000e+00 : f32
        %broadcast_in_dim3A_405 = vector.broadcast %jit3A_404 : f32 to vector<16xf32>
        %select_n3A_406 = arith.select %ge3A_16, %exp3A_403, %broadcast_in_dim3A_405 : vector<16xi1>, vector<16xf32>
        %add3A_407 = arith.addf %get3A_400, %select_n3A_406 : vector<16xf32>
        %swap3A_408 = arith.constant 0 : index
        %swap3A_409 = tpu.vector_load %arg19[%swap3A_408] {strides = array<i32>} : memref<16xf32, #tpu.memory_space<vmem>>, vector<16xf32>,
        tpu.vector_store %arg19[%swap3A_408], %add3A_407 {strides = array<i32>} : memref<16xf32, #tpu.memory_space<vmem>>, vector<16xf32>,
        %eq3A_410 = vector.broadcast %add3A_356 : i32 to vector<16xi32>
        %eq3A_411 = arith.cmpi eq, %iota3A_17, %eq3A_410 : vector<16xi32>
        %get3A_412 = arith.constant 0 : index
        %get3A_413 = tpu.vector_load %arg20[%get3A_412] {strides = array<i32>} : memref<16xf32, #tpu.memory_space<vmem>>, vector<16xf32>,
        %broadcast_in_dim3A_414 = vector.broadcast %reduce_max3A_389 : f32 to vector<16xf32>
        %select_n3A_415 = arith.select %eq3A_411, %broadcast_in_dim3A_414, %get3A_413 : vector<16xi1>, vector<16xf32>
        %swap3A_416 = arith.constant 0 : index
        %swap3A_417 = tpu.vector_load %arg20[%swap3A_416] {strides = array<i32>} : memref<16xf32, #tpu.memory_space<vmem>>, vector<16xf32>,
        tpu.vector_store %arg20[%swap3A_416], %select_n3A_415 {strides = array<i32>} : memref<16xf32, #tpu.memory_space<vmem>>, vector<16xf32>,
        %get3A_418 = arith.constant 0 : index
        %get3A_419 = tpu.vector_load %arg19[%get3A_418] {strides = array<i32>} : memref<16xf32, #tpu.memory_space<vmem>>, vector<16xf32>,
        %reduce_sum3A = arith.constant true
        %reduce_sum3A_420 = vector.broadcast %reduce_sum3A : i1 to vector<16xi1>
        %reduce_sum3A_421 = tpu.scan <sum>, %get3A_419 masked %reduce_sum3A_420 : vector<16xf32>, vector<16xi1> -> vector<16xf32>
        %reduce_sum3A_422 = vector.extract %reduce_sum3A_421[15] : f32 from vector<16xf32>
        %get3A_423 = arith.constant 0 : index
        %get3A_424 = tpu.vector_load %arg21[%get3A_423] {strides = array<i32>} : memref<16xf32, #tpu.memory_space<vmem>>, vector<16xf32>,
        %broadcast_in_dim3A_425 = vector.broadcast %reduce_sum3A_422 : f32 to vector<16xf32>
        %select_n3A_426 = arith.select %eq3A_411, %broadcast_in_dim3A_425, %get3A_424 : vector<16xi1>, vector<16xf32>
        %swap3A_427 = arith.constant 0 : index
        %swap3A_428 = tpu.vector_load %arg21[%swap3A_427] {strides = array<i32>} : memref<16xf32, #tpu.memory_space<vmem>>, vector<16xf32>,
        tpu.vector_store %arg21[%swap3A_427], %select_n3A_426 {strides = array<i32>} : memref<16xf32, #tpu.memory_space<vmem>>, vector<16xf32>,
      } else {
      }
    }
    %scan3A_181 = arith.constant 16 : i32
    %get3A_182 = arith.constant 0 : index
    %get3A_183 = tpu.vector_load %arg21[%get3A_182] {strides = array<i32>} : memref<16xf32, #tpu.memory_space<vmem>>, vector<16xf32>,
    %get3A_184 = arith.constant 0 : index
    %get3A_185 = tpu.vector_load %arg20[%get3A_184] {strides = array<i32>} : memref<16xf32, #tpu.memory_space<vmem>>, vector<16xf32>,
    %bitcast3A_186 = vector.bitcast %get3A_183 : vector<16xf32> to vector<16xi32>
    %shift_right_arithmetic3A_187 = arith.constant 23 : i32
    %shift_right_arithmetic3A_188 = vector.broadcast %shift_right_arithmetic3A_187 : i32 to vector<16xi32>
    %shift_right_arithmetic3A_189 = arith.shrsi %bitcast3A_186, %shift_right_arithmetic3A_188 : vector<16xi32>
    %and3A_190 = arith.constant 255 : i32
    %and3A_191 = vector.broadcast %and3A_190 : i32 to vector<16xi32>
    %and3A_192 = arith.andi %shift_right_arithmetic3A_189, %and3A_191 : vector<16xi32>
    %sub3A_193 = arith.constant 127 : i32
    %sub3A_194 = vector.broadcast %sub3A_193 : i32 to vector<16xi32>
    %sub3A_195 = arith.subi %and3A_192, %sub3A_194 : vector<16xi32>
    %convert_element_type3A_196 = arith.sitofp %sub3A_195 : vector<16xi32> to vector<16xf32>
    %mul3A_197 = arith.constant 0.693147182 : f32
    %mul3A_198 = vector.broadcast %mul3A_197 : f32 to vector<16xf32>
    %mul3A_199 = arith.mulf %mul3A_198, %convert_element_type3A_196 : vector<16xf32>
    %neg3A_200 = arith.constant 0.000000e+00 : f32
    %neg3A_201 = vector.broadcast %neg3A_200 : f32 to vector<16xf32>
    %neg3A_202 = arith.subf %neg3A_201, %mul3A_199 : vector<16xf32>
    %exp3A_203 = math.exp %neg3A_202 : vector<16xf32>
    %mul3A_204 = arith.mulf %get3A_183, %exp3A_203 : vector<16xf32>
    %add3A_205 = arith.addf %mul3A_199, %mul3A_204 : vector<16xf32>
    %sub3A_206 = arith.constant 1.000000e+00 : f32
    %sub3A_207 = vector.broadcast %sub3A_206 : f32 to vector<16xf32>
    %sub3A_208 = arith.subf %add3A_205, %sub3A_207 : vector<16xf32>
    %neg3A_209 = arith.constant 0.000000e+00 : f32
    %neg3A_210 = vector.broadcast %neg3A_209 : f32 to vector<16xf32>
    %neg3A_211 = arith.subf %neg3A_210, %sub3A_208 : vector<16xf32>
    %exp3A_212 = math.exp %neg3A_211 : vector<16xf32>
    %mul3A_213 = arith.mulf %get3A_183, %exp3A_212 : vector<16xf32>
    %add3A_214 = arith.addf %sub3A_208, %mul3A_213 : vector<16xf32>
    %sub3A_215 = arith.constant 1.000000e+00 : f32
    %sub3A_216 = vector.broadcast %sub3A_215 : f32 to vector<16xf32>
    %sub3A_217 = arith.subf %add3A_214, %sub3A_216 : vector<16xf32>
    %neg3A_218 = arith.constant 0.000000e+00 : f32
    %neg3A_219 = vector.broadcast %neg3A_218 : f32 to vector<16xf32>
    %neg3A_220 = arith.subf %neg3A_219, %sub3A_217 : vector<16xf32>
    %exp3A_221 = math.exp %neg3A_220 : vector<16xf32>
    %mul3A_222 = arith.mulf %get3A_183, %exp3A_221 : vector<16xf32>
    %add3A_223 = arith.addf %sub3A_217, %mul3A_222 : vector<16xf32>
    %sub3A_224 = arith.constant 1.000000e+00 : f32
    %sub3A_225 = vector.broadcast %sub3A_224 : f32 to vector<16xf32>
    %sub3A_226 = arith.subf %add3A_223, %sub3A_225 : vector<16xf32>
    %neg3A_227 = arith.constant 0.000000e+00 : f32
    %neg3A_228 = vector.broadcast %neg3A_227 : f32 to vector<16xf32>
    %neg3A_229 = arith.subf %neg3A_228, %sub3A_226 : vector<16xf32>
    %exp3A_230 = math.exp %neg3A_229 : vector<16xf32>
    %mul3A_231 = arith.mulf %get3A_183, %exp3A_230 : vector<16xf32>
    %add3A_232 = arith.addf %sub3A_226, %mul3A_231 : vector<16xf32>
    %sub3A_233 = arith.constant 1.000000e+00 : f32
    %sub3A_234 = vector.broadcast %sub3A_233 : f32 to vector<16xf32>
    %sub3A_235 = arith.subf %add3A_232, %sub3A_234 : vector<16xf32>
    %neg3A_236 = arith.constant 0.000000e+00 : f32
    %neg3A_237 = vector.broadcast %neg3A_236 : f32 to vector<16xf32>
    %neg3A_238 = arith.subf %neg3A_237, %sub3A_235 : vector<16xf32>
    %exp3A_239 = math.exp %neg3A_238 : vector<16xf32>
    %mul3A_240 = arith.mulf %get3A_183, %exp3A_239 : vector<16xf32>
    %add3A_241 = arith.addf %sub3A_235, %mul3A_240 : vector<16xf32>
    %sub3A_242 = arith.constant 1.000000e+00 : f32
    %sub3A_243 = vector.broadcast %sub3A_242 : f32 to vector<16xf32>
    %sub3A_244 = arith.subf %add3A_241, %sub3A_243 : vector<16xf32>
    %add3A_245 = arith.addf %get3A_185, %sub3A_244 : vector<16xf32>
    %swap3A_246 = arith.constant 32 : index
    %swap3A_247 = tpu.vector_load %arg22[%swap3A_246] {strides = array<i32>} : memref<64xf32, #tpu.memory_space<vmem>>, vector<16xf32>,
    tpu.vector_store %arg22[%swap3A_246], %add3A_245 {strides = array<i32>} : memref<64xf32, #tpu.memory_space<vmem>>, vector<16xf32>,
    %broadcast_in_dim3A_248 = arith.constant 0.000000e+00 : f32
    %broadcast_in_dim3A_249 = vector.broadcast %broadcast_in_dim3A_248 : f32 to vector<16xf32>
    %swap3A_250 = arith.constant 0 : index
    %swap3A_251 = tpu.vector_load %arg20[%swap3A_250] {strides = array<i32>} : memref<16xf32, #tpu.memory_space<vmem>>, vector<16xf32>,
    tpu.vector_store %arg20[%swap3A_250], %broadcast_in_dim3A_249 {strides = array<i32>} : memref<16xf32, #tpu.memory_space<vmem>>, vector<16xf32>,
    %broadcast_in_dim3A_252 = arith.constant 2.000000e+00 : f32
    %broadcast_in_dim3A_253 = vector.broadcast %broadcast_in_dim3A_252 : f32 to vector<16xf32>
    %swap3A_254 = arith.constant 0 : index
    %swap3A_255 = tpu.vector_load %arg21[%swap3A_254] {strides = array<i32>} : memref<16xf32, #tpu.memory_space<vmem>>, vector<16xf32>,
    tpu.vector_store %arg21[%swap3A_254], %broadcast_in_dim3A_253 {strides = array<i32>} : memref<16xf32, #tpu.memory_space<vmem>>, vector<16xf32>,
    %scan3A_256 = arith.constant 0 : i32
    %scan3A_257 = arith.constant 16 : i32
    %scan3A_258 = arith.addi %scan3A_256, %scan3A_257 : i32
    %scan3A_259 = arith.constant 1 : i32
    scf.for %scan3A_352 = %scan3A_256 to %scan3A_258 step %scan3A_259  : i32 {
      %mul3A_353 = arith.constant 1 : i32
      %mul3A_354 = arith.muli %scan3A_352, %mul3A_353 : i32
      %add3A_355 = arith.constant 0 : i32
      %add3A_356 = arith.addi %add3A_355, %mul3A_354 : i32
      %mul3A_357 = arith.constant 64 : i32
      %mul3A_358 = arith.muli %arg1, %mul3A_357 : i32
      %add3A_359 = arith.constant 48 : i32
      %add3A_360 = arith.addi %mul3A_358, %add3A_359 : i32
      %add3A_361 = arith.addi %add3A_360, %add3A_356 : i32
      %lt3A_362 = arith.constant 1000 : i32
      %lt3A_363 = arith.cmpi slt, %add3A_361, %lt3A_362 : i32
      %convert_element_type3A_364 = arith.extui %lt3A_363 : i1 to i32
      %cond3A_365 = arith.constant 0 : i32
      %cond3A_366 = arith.cmpi ne, %convert_element_type3A_364, %cond3A_365 : i32
      scf.if %cond3A_366 {
        %mul3A_367 = arith.constant 1000 : i32
        %mul3A_368 = arith.muli %add3A_361, %mul3A_367 : i32
        "tpu.region"() ({
          %run_scoped3A = tpu.sem_alloc : memref<!tpu.dma_semaphore, #tpu.memory_space<semaphore_mem>>
          %dma_start3A = tpu.memref_slice %arg6[%mul3A_368] : memref<1000000xf32, #tpu.memory_space<vmem_shared>> -> memref<1000xf32, #tpu.memory_space<vmem_shared>>
          %dma_start3A_429 = tpu.memref_slice %arg6[%mul3A_368] : memref<1000000xf32, #tpu.memory_space<vmem_shared>> -> memref<1000xf32, #tpu.memory_space<vmem_shared>>
          tpu.enqueue_dma source(%dma_start3A_429 : memref<1000xf32, #tpu.memory_space<vmem_shared>>) target(%arg17 : memref<1000xf32, #tpu.memory_space<vmem>>) target_semaphore(%run_scoped3A : memref<!tpu.dma_semaphore, #tpu.memory_space<semaphore_mem>>)
          %dma_wait3A = tpu.memref_slice %arg6[%mul3A_368] : memref<1000000xf32, #tpu.memory_space<vmem_shared>> -> memref<1000xf32, #tpu.memory_space<vmem_shared>>
          %dma_wait3A_430 = tpu.memref_slice %arg6[%mul3A_368] : memref<1000000xf32, #tpu.memory_space<vmem_shared>> -> memref<1000xf32, #tpu.memory_space<vmem_shared>>
          tpu.wait_dma2 semaphore(%run_scoped3A : memref<!tpu.dma_semaphore, #tpu.memory_space<semaphore_mem>>) src(%dma_wait3A_430 : memref<1000xf32, #tpu.memory_space<vmem_shared>>) dst(%arg17 : memref<1000xf32, #tpu.memory_space<vmem>>)
          tpu.yield
        }) : () -> ()
        %get3A_369 = arith.constant 0 : index
        %get3A_370 = tpu.vector_load %arg17[%get3A_369] {strides = array<i32>} : memref<1000xf32, #tpu.memory_space<vmem>>, vector<16xf32>,
        %swap3A_371 = arith.constant 0 : index
        %swap3A_372 = tpu.vector_load %arg18[%swap3A_371] {strides = array<i32>} : memref<16xf32, #tpu.memory_space<vmem>>, vector<16xf32>,
        tpu.vector_store %arg18[%swap3A_371], %get3A_370 {strides = array<i32>} : memref<16xf32, #tpu.memory_space<vmem>>, vector<16xf32>,
        %scan3A_373 = arith.constant 0 : i32
        %scan3A_374 = arith.constant 61 : i32
        %scan3A_375 = arith.addi %scan3A_373, %scan3A_374 : i32
        %scan3A_376 = arith.constant 1 : i32
        scf.for %scan3A_429 = %scan3A_373 to %scan3A_375 step %scan3A_376  : i32 {
          %mul3A_430 = arith.constant 1 : i32
          %mul3A_431 = arith.muli %scan3A_429, %mul3A_430 : i32
          %add3A_432 = arith.constant 1 : i32
          %add3A_433 = arith.addi %add3A_432, %mul3A_431 : i32
          %get3A_434 = arith.constant 0 : index
          %get3A_435 = tpu.vector_load %arg18[%get3A_434] {strides = array<i32>} : memref<16xf32, #tpu.memory_space<vmem>>, vector<16xf32>,
          %mul3A_436 = arith.constant 16 : i32
          %mul3A_437 = arith.muli %add3A_433, %mul3A_436 : i32
          %get3A_438 = arith.index_cast %mul3A_437 : i32 to index
          %get3A_439 = tpu.vector_load %arg17[%get3A_438] {strides = array<i32>} : memref<1000xf32, #tpu.memory_space<vmem>>, vector<16xf32>,
          %max3A_440 = arith.maximumf %get3A_435, %get3A_439 : vector<16xf32>
          %swap3A_441 = arith.constant 0 : index
          %swap3A_442 = tpu.vector_load %arg18[%swap3A_441] {strides = array<i32>} : memref<16xf32, #tpu.memory_space<vmem>>, vector<16xf32>,
          tpu.vector_store %arg18[%swap3A_441], %max3A_440 {strides = array<i32>} : memref<16xf32, #tpu.memory_space<vmem>>, vector<16xf32>,
        }
        %scan3A_377 = arith.constant 61 : i32
        %get3A_378 = arith.constant 984 : index
        %get3A_379 = tpu.vector_load %arg17[%get3A_378] {strides = array<i32>} : memref<1000xf32, #tpu.memory_space<vmem>>, vector<16xf32>,
        %get3A_380 = arith.constant 0 : index
        %get3A_381 = tpu.vector_load %arg18[%get3A_380] {strides = array<i32>} : memref<16xf32, #tpu.memory_space<vmem>>, vector<16xf32>,
        %jit3A = arith.constant -3.000000e+38 : f32
        %broadcast_in_dim3A_382 = vector.broadcast %jit3A : f32 to vector<16xf32>
        %select_n3A = arith.select %ge3A_16, %get3A_379, %broadcast_in_dim3A_382 : vector<16xi1>, vector<16xf32>
        %max3A = arith.maximumf %get3A_381, %select_n3A : vector<16xf32>
        %swap3A_383 = arith.constant 0 : index
        %swap3A_384 = tpu.vector_load %arg18[%swap3A_383] {strides = array<i32>} : memref<16xf32, #tpu.memory_space<vmem>>, vector<16xf32>,
        tpu.vector_store %arg18[%swap3A_383], %max3A {strides = array<i32>} : memref<16xf32, #tpu.memory_space<vmem>>, vector<16xf32>,
        %get3A_385 = arith.constant 0 : index
        %get3A_386 = tpu.vector_load %arg18[%get3A_385] {strides = array<i32>} : memref<16xf32, #tpu.memory_space<vmem>>, vector<16xf32>,
        %reduce_max3A = arith.constant true
        %reduce_max3A_387 = vector.broadcast %reduce_max3A : i1 to vector<16xi1>
        %reduce_max3A_388 = tpu.scan <max>, %get3A_386 masked %reduce_max3A_387 : vector<16xf32>, vector<16xi1> -> vector<16xf32>
        %reduce_max3A_389 = vector.extract %reduce_max3A_388[15] : f32 from vector<16xf32>
        %broadcast_in_dim3A_390 = arith.constant 0.000000e+00 : f32
        %broadcast_in_dim3A_391 = vector.broadcast %broadcast_in_dim3A_390 : f32 to vector<16xf32>
        %swap3A_392 = arith.constant 0 : index
        %swap3A_393 = tpu.vector_load %arg19[%swap3A_392] {strides = array<i32>} : memref<16xf32, #tpu.memory_space<vmem>>, vector<16xf32>,
        tpu.vector_store %arg19[%swap3A_392], %broadcast_in_dim3A_391 {strides = array<i32>} : memref<16xf32, #tpu.memory_space<vmem>>, vector<16xf32>,
        %scan3A_394 = arith.constant 0 : i32
        %scan3A_395 = arith.constant 62 : i32
        %scan3A_396 = arith.addi %scan3A_394, %scan3A_395 : i32
        %scan3A_397 = arith.constant 1 : i32
        scf.for %scan3A_429 = %scan3A_394 to %scan3A_396 step %scan3A_397  : i32 {
          %mul3A_430 = arith.constant 1 : i32
          %mul3A_431 = arith.muli %scan3A_429, %mul3A_430 : i32
          %add3A_432 = arith.constant 0 : i32
          %add3A_433 = arith.addi %add3A_432, %mul3A_431 : i32
          %get3A_434 = arith.constant 0 : index
          %get3A_435 = tpu.vector_load %arg19[%get3A_434] {strides = array<i32>} : memref<16xf32, #tpu.memory_space<vmem>>, vector<16xf32>,
          %mul3A_436 = arith.constant 16 : i32
          %mul3A_437 = arith.muli %add3A_433, %mul3A_436 : i32
          %get3A_438 = arith.index_cast %mul3A_437 : i32 to index
          %get3A_439 = tpu.vector_load %arg17[%get3A_438] {strides = array<i32>} : memref<1000xf32, #tpu.memory_space<vmem>>, vector<16xf32>,
          %sub3A_440 = vector.broadcast %reduce_max3A_389 : f32 to vector<16xf32>
          %sub3A_441 = arith.subf %get3A_439, %sub3A_440 : vector<16xf32>
          %exp3A_442 = math.exp %sub3A_441 : vector<16xf32>
          %add3A_443 = arith.addf %get3A_435, %exp3A_442 : vector<16xf32>
          %swap3A_444 = arith.constant 0 : index
          %swap3A_445 = tpu.vector_load %arg19[%swap3A_444] {strides = array<i32>} : memref<16xf32, #tpu.memory_space<vmem>>, vector<16xf32>,
          tpu.vector_store %arg19[%swap3A_444], %add3A_443 {strides = array<i32>} : memref<16xf32, #tpu.memory_space<vmem>>, vector<16xf32>,
        }
        %scan3A_398 = arith.constant 62 : i32
        %get3A_399 = arith.constant 0 : index
        %get3A_400 = tpu.vector_load %arg19[%get3A_399] {strides = array<i32>} : memref<16xf32, #tpu.memory_space<vmem>>, vector<16xf32>,
        %sub3A_401 = vector.broadcast %reduce_max3A_389 : f32 to vector<16xf32>
        %sub3A_402 = arith.subf %get3A_379, %sub3A_401 : vector<16xf32>
        %exp3A_403 = math.exp %sub3A_402 : vector<16xf32>
        %jit3A_404 = arith.constant 0.000000e+00 : f32
        %broadcast_in_dim3A_405 = vector.broadcast %jit3A_404 : f32 to vector<16xf32>
        %select_n3A_406 = arith.select %ge3A_16, %exp3A_403, %broadcast_in_dim3A_405 : vector<16xi1>, vector<16xf32>
        %add3A_407 = arith.addf %get3A_400, %select_n3A_406 : vector<16xf32>
        %swap3A_408 = arith.constant 0 : index
        %swap3A_409 = tpu.vector_load %arg19[%swap3A_408] {strides = array<i32>} : memref<16xf32, #tpu.memory_space<vmem>>, vector<16xf32>,
        tpu.vector_store %arg19[%swap3A_408], %add3A_407 {strides = array<i32>} : memref<16xf32, #tpu.memory_space<vmem>>, vector<16xf32>,
        %eq3A_410 = vector.broadcast %add3A_356 : i32 to vector<16xi32>
        %eq3A_411 = arith.cmpi eq, %iota3A_17, %eq3A_410 : vector<16xi32>
        %get3A_412 = arith.constant 0 : index
        %get3A_413 = tpu.vector_load %arg20[%get3A_412] {strides = array<i32>} : memref<16xf32, #tpu.memory_space<vmem>>, vector<16xf32>,
        %broadcast_in_dim3A_414 = vector.broadcast %reduce_max3A_389 : f32 to vector<16xf32>
        %select_n3A_415 = arith.select %eq3A_411, %broadcast_in_dim3A_414, %get3A_413 : vector<16xi1>, vector<16xf32>
        %swap3A_416 = arith.constant 0 : index
        %swap3A_417 = tpu.vector_load %arg20[%swap3A_416] {strides = array<i32>} : memref<16xf32, #tpu.memory_space<vmem>>, vector<16xf32>,
        tpu.vector_store %arg20[%swap3A_416], %select_n3A_415 {strides = array<i32>} : memref<16xf32, #tpu.memory_space<vmem>>, vector<16xf32>,
        %get3A_418 = arith.constant 0 : index
        %get3A_419 = tpu.vector_load %arg19[%get3A_418] {strides = array<i32>} : memref<16xf32, #tpu.memory_space<vmem>>, vector<16xf32>,
        %reduce_sum3A = arith.constant true
        %reduce_sum3A_420 = vector.broadcast %reduce_sum3A : i1 to vector<16xi1>
        %reduce_sum3A_421 = tpu.scan <sum>, %get3A_419 masked %reduce_sum3A_420 : vector<16xf32>, vector<16xi1> -> vector<16xf32>
        %reduce_sum3A_422 = vector.extract %reduce_sum3A_421[15] : f32 from vector<16xf32>
        %get3A_423 = arith.constant 0 : index
        %get3A_424 = tpu.vector_load %arg21[%get3A_423] {strides = array<i32>} : memref<16xf32, #tpu.memory_space<vmem>>, vector<16xf32>,
        %broadcast_in_dim3A_425 = vector.broadcast %reduce_sum3A_422 : f32 to vector<16xf32>
        %select_n3A_426 = arith.select %eq3A_411, %broadcast_in_dim3A_425, %get3A_424 : vector<16xi1>, vector<16xf32>
        %swap3A_427 = arith.constant 0 : index
        %swap3A_428 = tpu.vector_load %arg21[%swap3A_427] {strides = array<i32>} : memref<16xf32, #tpu.memory_space<vmem>>, vector<16xf32>,
        tpu.vector_store %arg21[%swap3A_427], %select_n3A_426 {strides = array<i32>} : memref<16xf32, #tpu.memory_space<vmem>>, vector<16xf32>,
      } else {
      }
    }
    %scan3A_260 = arith.constant 16 : i32
    %get3A_261 = arith.constant 0 : index
    %get3A_262 = tpu.vector_load %arg21[%get3A_261] {strides = array<i32>} : memref<16xf32, #tpu.memory_space<vmem>>, vector<16xf32>,
    %get3A_263 = arith.constant 0 : index
    %get3A_264 = tpu.vector_load %arg20[%get3A_263] {strides = array<i32>} : memref<16xf32, #tpu.memory_space<vmem>>, vector<16xf32>,
    %bitcast3A_265 = vector.bitcast %get3A_262 : vector<16xf32> to vector<16xi32>
    %shift_right_arithmetic3A_266 = arith.constant 23 : i32
    %shift_right_arithmetic3A_267 = vector.broadcast %shift_right_arithmetic3A_266 : i32 to vector<16xi32>
    %shift_right_arithmetic3A_268 = arith.shrsi %bitcast3A_265, %shift_right_arithmetic3A_267 : vector<16xi32>
    %and3A_269 = arith.constant 255 : i32
    %and3A_270 = vector.broadcast %and3A_269 : i32 to vector<16xi32>
    %and3A_271 = arith.andi %shift_right_arithmetic3A_268, %and3A_270 : vector<16xi32>
    %sub3A_272 = arith.constant 127 : i32
    %sub3A_273 = vector.broadcast %sub3A_272 : i32 to vector<16xi32>
    %sub3A_274 = arith.subi %and3A_271, %sub3A_273 : vector<16xi32>
    %convert_element_type3A_275 = arith.sitofp %sub3A_274 : vector<16xi32> to vector<16xf32>
    %mul3A_276 = arith.constant 0.693147182 : f32
    %mul3A_277 = vector.broadcast %mul3A_276 : f32 to vector<16xf32>
    %mul3A_278 = arith.mulf %mul3A_277, %convert_element_type3A_275 : vector<16xf32>
    %neg3A_279 = arith.constant 0.000000e+00 : f32
    %neg3A_280 = vector.broadcast %neg3A_279 : f32 to vector<16xf32>
    %neg3A_281 = arith.subf %neg3A_280, %mul3A_278 : vector<16xf32>
    %exp3A_282 = math.exp %neg3A_281 : vector<16xf32>
    %mul3A_283 = arith.mulf %get3A_262, %exp3A_282 : vector<16xf32>
    %add3A_284 = arith.addf %mul3A_278, %mul3A_283 : vector<16xf32>
    %sub3A_285 = arith.constant 1.000000e+00 : f32
    %sub3A_286 = vector.broadcast %sub3A_285 : f32 to vector<16xf32>
    %sub3A_287 = arith.subf %add3A_284, %sub3A_286 : vector<16xf32>
    %neg3A_288 = arith.constant 0.000000e+00 : f32
    %neg3A_289 = vector.broadcast %neg3A_288 : f32 to vector<16xf32>
    %neg3A_290 = arith.subf %neg3A_289, %sub3A_287 : vector<16xf32>
    %exp3A_291 = math.exp %neg3A_290 : vector<16xf32>
    %mul3A_292 = arith.mulf %get3A_262, %exp3A_291 : vector<16xf32>
    %add3A_293 = arith.addf %sub3A_287, %mul3A_292 : vector<16xf32>
    %sub3A_294 = arith.constant 1.000000e+00 : f32
    %sub3A_295 = vector.broadcast %sub3A_294 : f32 to vector<16xf32>
    %sub3A_296 = arith.subf %add3A_293, %sub3A_295 : vector<16xf32>
    %neg3A_297 = arith.constant 0.000000e+00 : f32
    %neg3A_298 = vector.broadcast %neg3A_297 : f32 to vector<16xf32>
    %neg3A_299 = arith.subf %neg3A_298, %sub3A_296 : vector<16xf32>
    %exp3A_300 = math.exp %neg3A_299 : vector<16xf32>
    %mul3A_301 = arith.mulf %get3A_262, %exp3A_300 : vector<16xf32>
    %add3A_302 = arith.addf %sub3A_296, %mul3A_301 : vector<16xf32>
    %sub3A_303 = arith.constant 1.000000e+00 : f32
    %sub3A_304 = vector.broadcast %sub3A_303 : f32 to vector<16xf32>
    %sub3A_305 = arith.subf %add3A_302, %sub3A_304 : vector<16xf32>
    %neg3A_306 = arith.constant 0.000000e+00 : f32
    %neg3A_307 = vector.broadcast %neg3A_306 : f32 to vector<16xf32>
    %neg3A_308 = arith.subf %neg3A_307, %sub3A_305 : vector<16xf32>
    %exp3A_309 = math.exp %neg3A_308 : vector<16xf32>
    %mul3A_310 = arith.mulf %get3A_262, %exp3A_309 : vector<16xf32>
    %add3A_311 = arith.addf %sub3A_305, %mul3A_310 : vector<16xf32>
    %sub3A_312 = arith.constant 1.000000e+00 : f32
    %sub3A_313 = vector.broadcast %sub3A_312 : f32 to vector<16xf32>
    %sub3A_314 = arith.subf %add3A_311, %sub3A_313 : vector<16xf32>
    %neg3A_315 = arith.constant 0.000000e+00 : f32
    %neg3A_316 = vector.broadcast %neg3A_315 : f32 to vector<16xf32>
    %neg3A_317 = arith.subf %neg3A_316, %sub3A_314 : vector<16xf32>
    %exp3A_318 = math.exp %neg3A_317 : vector<16xf32>
    %mul3A_319 = arith.mulf %get3A_262, %exp3A_318 : vector<16xf32>
    %add3A_320 = arith.addf %sub3A_314, %mul3A_319 : vector<16xf32>
    %sub3A_321 = arith.constant 1.000000e+00 : f32
    %sub3A_322 = vector.broadcast %sub3A_321 : f32 to vector<16xf32>
    %sub3A_323 = arith.subf %add3A_320, %sub3A_322 : vector<16xf32>
    %add3A_324 = arith.addf %get3A_264, %sub3A_323 : vector<16xf32>
    %swap3A_325 = arith.constant 48 : index
    %swap3A_326 = tpu.vector_load %arg22[%swap3A_325] {strides = array<i32>} : memref<64xf32, #tpu.memory_space<vmem>>, vector<16xf32>,
    tpu.vector_store %arg22[%swap3A_325], %add3A_324 {strides = array<i32>} : memref<64xf32, #tpu.memory_space<vmem>>, vector<16xf32>,
    %mul3A_327 = arith.constant 64 : i32
    %mul3A_328 = arith.muli %arg1, %mul3A_327 : i32
    "tpu.region"() ({
      %run_scoped3A = tpu.sem_alloc : memref<!tpu.dma_semaphore, #tpu.memory_space<semaphore_mem>>
      %dma_start3A = tpu.memref_slice %arg8[%mul3A_328] : memref<1024xf32, #tpu.memory_space<vmem_shared>> -> memref<64xf32, #tpu.memory_space<vmem_shared>>
      %dma_start3A_352 = tpu.memref_slice %arg8[%mul3A_328] : memref<1024xf32, #tpu.memory_space<vmem_shared>> -> memref<64xf32, #tpu.memory_space<vmem_shared>>
      tpu.enqueue_dma source(%arg22 : memref<64xf32, #tpu.memory_space<vmem>>) target(%dma_start3A_352 : memref<64xf32, #tpu.memory_space<vmem_shared>>) target_semaphore(%run_scoped3A : memref<!tpu.dma_semaphore, #tpu.memory_space<semaphore_mem>>)
      %dma_wait3A = tpu.memref_slice %arg8[%mul3A_328] : memref<1024xf32, #tpu.memory_space<vmem_shared>> -> memref<64xf32, #tpu.memory_space<vmem_shared>>
      %dma_wait3A_353 = tpu.memref_slice %arg8[%mul3A_328] : memref<1024xf32, #tpu.memory_space<vmem_shared>> -> memref<64xf32, #tpu.memory_space<vmem_shared>>
      tpu.wait_dma2 semaphore(%run_scoped3A : memref<!tpu.dma_semaphore, #tpu.memory_space<semaphore_mem>>) src(%arg22 : memref<64xf32, #tpu.memory_space<vmem>>) dst(%dma_wait3A_353 : memref<64xf32, #tpu.memory_space<vmem_shared>>)
      tpu.yield
    }) : () -> ()
    %barrier3A_329 = arith.constant 0 : index
    tpu.barrier barrier_id(%barrier3A_329)
    "tpu.region"() ({
      %run_scoped3A = tpu.sem_alloc : memref<!tpu.dma_semaphore, #tpu.memory_space<semaphore_mem>>
      %dma_start3A = arith.constant 0 : i32
      %dma_start3A_352 = tpu.memref_slice %arg8[%dma_start3A] : memref<1024xf32, #tpu.memory_space<vmem_shared>> -> memref<1000xf32, #tpu.memory_space<vmem_shared>>
      %dma_start3A_353 = arith.constant 0 : i32
      %dma_start3A_354 = tpu.memref_slice %arg8[%dma_start3A_353] : memref<1024xf32, #tpu.memory_space<vmem_shared>> -> memref<1000xf32, #tpu.memory_space<vmem_shared>>
      tpu.enqueue_dma source(%dma_start3A_354 : memref<1000xf32, #tpu.memory_space<vmem_shared>>) target(%arg12 : memref<1000xf32, #tpu.memory_space<vmem>>) target_semaphore(%run_scoped3A : memref<!tpu.dma_semaphore, #tpu.memory_space<semaphore_mem>>)
      %dma_wait3A = arith.constant 0 : i32
      %dma_wait3A_355 = tpu.memref_slice %arg8[%dma_wait3A] : memref<1024xf32, #tpu.memory_space<vmem_shared>> -> memref<1000xf32, #tpu.memory_space<vmem_shared>>
      %dma_wait3A_356 = arith.constant 0 : i32
      %dma_wait3A_357 = tpu.memref_slice %arg8[%dma_wait3A_356] : memref<1024xf32, #tpu.memory_space<vmem_shared>> -> memref<1000xf32, #tpu.memory_space<vmem_shared>>
      tpu.wait_dma2 semaphore(%run_scoped3A : memref<!tpu.dma_semaphore, #tpu.memory_space<semaphore_mem>>) src(%dma_wait3A_357 : memref<1000xf32, #tpu.memory_space<vmem_shared>>) dst(%arg12 : memref<1000xf32, #tpu.memory_space<vmem>>)
      tpu.yield
    }) : () -> ()
    %scan3A_330 = arith.constant 0 : i32
    %scan3A_331 = arith.constant 25 : i32
    %scan3A_332 = arith.addi %scan3A_330, %scan3A_331 : i32
    %scan3A_333 = arith.constant 1 : i32
    scf.for %scan3A_352 = %scan3A_330 to %scan3A_332 step %scan3A_333  : i32 {
      %mul3A_353 = arith.constant 1 : i32
      %mul3A_354 = arith.muli %scan3A_352, %mul3A_353 : i32
      %add3A_355 = arith.constant 0 : i32
      %add3A_356 = arith.addi %add3A_355, %mul3A_354 : i32
      %mul3A_357 = arith.constant 64 : i32
      %mul3A_358 = arith.muli %add3A_356, %mul3A_357 : i32
      "tpu.region"() ({
        %run_scoped3A = tpu.sem_alloc : memref<!tpu.dma_semaphore, #tpu.memory_space<semaphore_mem>>
        %dma_start3A = tpu.memref_slice %arg13[%mul3A_358] : memref<1600xf32, #tpu.memory_space<vmem>> -> memref<64xf32, #tpu.memory_space<vmem>>
        %dma_start3A_359 = tpu.memref_slice %arg11[%mul3A_358] : memref<1600xi32, #tpu.memory_space<vmem>> -> memref<64xi32, #tpu.memory_space<vmem>>
        %dma_start3A_360 = arith.constant 0 : i32
        %dma_start3A_361 = tpu.memref_slice %arg6[%dma_start3A_360] : memref<1000000xf32, #tpu.memory_space<vmem_shared>> -> memref<1000000xf32, #tpu.memory_space<vmem_shared>>
        tpu.enqueue_indirect_dma source(%dma_start3A_361 : memref<1000000xf32, #tpu.memory_space<vmem_shared>>) target(%dma_start3A : memref<64xf32, #tpu.memory_space<vmem>>) offsets(%dma_start3A_359 : memref<64xi32, #tpu.memory_space<vmem>>) semaphore(%run_scoped3A : memref<!tpu.dma_semaphore, #tpu.memory_space<semaphore_mem>>)
        %dma_wait3A = tpu.memref_slice %arg13[%mul3A_358] : memref<1600xf32, #tpu.memory_space<vmem>> -> memref<64xf32, #tpu.memory_space<vmem>>
        %dma_wait3A_362 = tpu.memref_slice %arg11[%mul3A_358] : memref<1600xi32, #tpu.memory_space<vmem>> -> memref<64xi32, #tpu.memory_space<vmem>>
        %dma_wait3A_363 = arith.constant 0 : i32
        %dma_wait3A_364 = tpu.memref_slice %arg6[%dma_wait3A_363] : memref<1000000xf32, #tpu.memory_space<vmem_shared>> -> memref<1000000xf32, #tpu.memory_space<vmem_shared>>
        tpu.wait_indirect_dma semaphore(%run_scoped3A : memref<!tpu.dma_semaphore, #tpu.memory_space<semaphore_mem>>) src(%dma_wait3A_364 : memref<1000000xf32, #tpu.memory_space<vmem_shared>>) dst(%dma_wait3A : memref<64xf32, #tpu.memory_space<vmem>>)
        tpu.yield
      }) : () -> ()
    }
    %scan3A_334 = arith.constant 25 : i32
    %scan3A_335 = arith.constant 0 : i32
    %scan3A_336 = arith.constant 100 : i32
    %scan3A_337 = arith.addi %scan3A_335, %scan3A_336 : i32
    %scan3A_338 = arith.constant 1 : i32
    scf.for %scan3A_352 = %scan3A_335 to %scan3A_337 step %scan3A_338  : i32 {
      %mul3A_353 = arith.constant 1 : i32
      %mul3A_354 = arith.muli %scan3A_352, %mul3A_353 : i32
      %add3A_355 = arith.constant 0 : i32
      %add3A_356 = arith.addi %add3A_355, %mul3A_354 : i32
      %mul3A_357 = arith.constant 16 : i32
      %mul3A_358 = arith.muli %add3A_356, %mul3A_357 : i32
      %get3A_359 = arith.constant 0 : index
      %get3A_360 = tpu.vector_load %arg15[%get3A_359] {strides = array<i32>} : memref<16xf32, #tpu.memory_space<vmem>>, vector<16xf32>,
      %get3A_361 = arith.index_cast %mul3A_358 : i32 to index
      %get3A_362 = tpu.vector_load %arg13[%get3A_361] {strides = array<i32>} : memref<1600xf32, #tpu.memory_space<vmem>>, vector<16xf32>,
      %add3A_363 = arith.addf %get3A_360, %get3A_362 : vector<16xf32>
      %swap3A_364 = arith.constant 0 : index
      %swap3A_365 = tpu.vector_load %arg15[%swap3A_364] {strides = array<i32>} : memref<16xf32, #tpu.memory_space<vmem>>, vector<16xf32>,
      tpu.vector_store %arg15[%swap3A_364], %add3A_363 {strides = array<i32>} : memref<16xf32, #tpu.memory_space<vmem>>, vector<16xf32>,
      %get3A_366 = arith.index_cast %mul3A_358 : i32 to index
      %get3A_367 = tpu.vector_load %arg9[%get3A_366] {strides = array<i32>} : memref<1600xi32, #tpu.memory_space<vmem>>, vector<16xi32>,
      %gather3A = tpu.vector_load_idx %arg12[%get3A_367] : memref<1000xf32, #tpu.memory_space<vmem>>[vector<16xi32>], vector<16xf32>,
      %get3A_368 = arith.constant 0 : index
      %get3A_369 = tpu.vector_load %arg14[%get3A_368] {strides = array<i32>} : memref<16xf32, #tpu.memory_space<vmem>>, vector<16xf32>,
      %add3A_370 = arith.addf %get3A_369, %gather3A : vector<16xf32>
      %swap3A_371 = arith.constant 0 : index
      %swap3A_372 = tpu.vector_load %arg14[%swap3A_371] {strides = array<i32>} : memref<16xf32, #tpu.memory_space<vmem>>, vector<16xf32>,
      tpu.vector_store %arg14[%swap3A_371], %add3A_370 {strides = array<i32>} : memref<16xf32, #tpu.memory_space<vmem>>, vector<16xf32>,
    }
    %scan3A_339 = arith.constant 100 : i32
    %get3A_340 = arith.constant 0 : index
    %get3A_341 = tpu.vector_load %arg14[%get3A_340] {strides = array<i32>} : memref<16xf32, #tpu.memory_space<vmem>>, vector<16xf32>,
    %get3A_342 = arith.constant 0 : index
    %get3A_343 = tpu.vector_load %arg15[%get3A_342] {strides = array<i32>} : memref<16xf32, #tpu.memory_space<vmem>>, vector<16xf32>,
    %sub3A_344 = arith.subf %get3A_341, %get3A_343 : vector<16xf32>
    %swap3A_345 = arith.constant 0 : index
    %swap3A_346 = tpu.vector_load %arg14[%swap3A_345] {strides = array<i32>} : memref<16xf32, #tpu.memory_space<vmem>>, vector<16xf32>,
    tpu.vector_store %arg14[%swap3A_345], %sub3A_344 {strides = array<i32>} : memref<16xf32, #tpu.memory_space<vmem>>, vector<16xf32>,
    "tpu.region"() ({
      %run_scoped3A = tpu.sem_alloc : memref<!tpu.dma_semaphore, #tpu.memory_space<semaphore_mem>>
      %dma_start3A = arith.constant 0 : i32
      %dma_start3A_352 = tpu.memref_slice %arg7[%arg1, %dma_start3A] : memref<16x16xf32, #tpu.memory_space<vmem_shared>> -> memref<1x16xf32, #tpu.memory_space<vmem_shared>>
      %dma_start3A_353 = tpu.memref_squeeze %dma_start3A_352 : memref<1x16xf32, #tpu.memory_space<vmem_shared>> -> memref<16xf32, #tpu.memory_space<vmem_shared>>
      %dma_start3A_354 = arith.constant 0 : i32
      %dma_start3A_355 = tpu.memref_slice %arg7[%arg1, %dma_start3A_354] : memref<16x16xf32, #tpu.memory_space<vmem_shared>> -> memref<1x16xf32, #tpu.memory_space<vmem_shared>>
      %dma_start3A_356 = tpu.memref_squeeze %dma_start3A_355 : memref<1x16xf32, #tpu.memory_space<vmem_shared>> -> memref<16xf32, #tpu.memory_space<vmem_shared>>
      tpu.enqueue_dma source(%arg14 : memref<16xf32, #tpu.memory_space<vmem>>) target(%dma_start3A_356 : memref<16xf32, #tpu.memory_space<vmem_shared>>) target_semaphore(%run_scoped3A : memref<!tpu.dma_semaphore, #tpu.memory_space<semaphore_mem>>)
      %dma_wait3A = arith.constant 0 : i32
      %dma_wait3A_357 = tpu.memref_slice %arg7[%arg1, %dma_wait3A] : memref<16x16xf32, #tpu.memory_space<vmem_shared>> -> memref<1x16xf32, #tpu.memory_space<vmem_shared>>
      %dma_wait3A_358 = tpu.memref_squeeze %dma_wait3A_357 : memref<1x16xf32, #tpu.memory_space<vmem_shared>> -> memref<16xf32, #tpu.memory_space<vmem_shared>>
      %dma_wait3A_359 = arith.constant 0 : i32
      %dma_wait3A_360 = tpu.memref_slice %arg7[%arg1, %dma_wait3A_359] : memref<16x16xf32, #tpu.memory_space<vmem_shared>> -> memref<1x16xf32, #tpu.memory_space<vmem_shared>>
      %dma_wait3A_361 = tpu.memref_squeeze %dma_wait3A_360 : memref<1x16xf32, #tpu.memory_space<vmem_shared>> -> memref<16xf32, #tpu.memory_space<vmem_shared>>
      tpu.wait_dma2 semaphore(%run_scoped3A : memref<!tpu.dma_semaphore, #tpu.memory_space<semaphore_mem>>) src(%arg14 : memref<16xf32, #tpu.memory_space<vmem>>) dst(%dma_wait3A_361 : memref<16xf32, #tpu.memory_space<vmem_shared>>)
      tpu.yield
    }) : () -> ()
    %barrier3A_347 = arith.constant 0 : index
    tpu.barrier barrier_id(%barrier3A_347)
    %eq3A = arith.constant 0 : i32
    %eq3A_348 = arith.cmpi eq, %arg1, %eq3A : i32
    %convert_element_type3A_349 = arith.extui %eq3A_348 : i1 to i32
    %cond3A_350 = arith.constant 0 : i32
    %cond3A_351 = arith.cmpi ne, %convert_element_type3A_349, %cond3A_350 : i32
    scf.if %cond3A_351 {
      "tpu.region"() ({
        %run_scoped3A = tpu.sem_alloc : memref<!tpu.dma_semaphore, #tpu.memory_space<semaphore_mem>>
        tpu.enqueue_dma source(%arg7 : memref<16x16xf32, #tpu.memory_space<vmem_shared>>) target(%arg16 : memref<16x16xf32, #tpu.memory_space<vmem>>) target_semaphore(%run_scoped3A : memref<!tpu.dma_semaphore, #tpu.memory_space<semaphore_mem>>)
        tpu.wait_dma2 semaphore(%run_scoped3A : memref<!tpu.dma_semaphore, #tpu.memory_space<semaphore_mem>>) src(%arg7 : memref<16x16xf32, #tpu.memory_space<vmem_shared>>) dst(%arg16 : memref<16x16xf32, #tpu.memory_space<vmem>>)
        tpu.yield
      }) : () -> ()
      %broadcast_in_dim3A_352 = arith.constant 0.000000e+00 : f32
      %broadcast_in_dim3A_353 = vector.broadcast %broadcast_in_dim3A_352 : f32 to vector<16xf32>
      %swap3A_354 = arith.constant 0 : index
      %swap3A_355 = tpu.vector_load %arg15[%swap3A_354] {strides = array<i32>} : memref<16xf32, #tpu.memory_space<vmem>>, vector<16xf32>,
      tpu.vector_store %arg15[%swap3A_354], %broadcast_in_dim3A_353 {strides = array<i32>} : memref<16xf32, #tpu.memory_space<vmem>>, vector<16xf32>,
      %scan3A_356 = arith.constant 0 : i32
      %scan3A_357 = arith.constant 16 : i32
      %scan3A_358 = arith.addi %scan3A_356, %scan3A_357 : i32
      %scan3A_359 = arith.constant 1 : i32
      scf.for %scan3A_361 = %scan3A_356 to %scan3A_358 step %scan3A_359  : i32 {
        %mul3A_362 = arith.constant 1 : i32
        %mul3A_363 = arith.muli %scan3A_361, %mul3A_362 : i32
        %add3A_364 = arith.constant 0 : i32
        %add3A_365 = arith.addi %add3A_364, %mul3A_363 : i32
        %get3A_366 = arith.constant 0 : index
        %get3A_367 = tpu.vector_load %arg15[%get3A_366] {strides = array<i32>} : memref<16xf32, #tpu.memory_space<vmem>>, vector<16xf32>,
        %get3A_368 = arith.index_cast %add3A_365 : i32 to index
        %get3A_369 = arith.constant 0 : index
        %get3A_370 = tpu.vector_load %arg16[%get3A_368, %get3A_369] {strides = array<i32>} : memref<16x16xf32, #tpu.memory_space<vmem>>, vector<16xf32>,
        %add3A_371 = arith.addf %get3A_367, %get3A_370 : vector<16xf32>
        %swap3A_372 = arith.constant 0 : index
        %swap3A_373 = tpu.vector_load %arg15[%swap3A_372] {strides = array<i32>} : memref<16xf32, #tpu.memory_space<vmem>>, vector<16xf32>,
        tpu.vector_store %arg15[%swap3A_372], %add3A_371 {strides = array<i32>} : memref<16xf32, #tpu.memory_space<vmem>>, vector<16xf32>,
      }
      %scan3A_360 = arith.constant 16 : i32
      "tpu.region"() ({
        %run_scoped3A = tpu.sem_alloc : memref<!tpu.dma_semaphore, #tpu.memory_space<semaphore_mem>>
        %dma_start3A = arith.constant 0 : i32
        %dma_start3A_361 = tpu.memref_slice %arg5[%arg0, %dma_start3A] : memref<2x16xf32, #tpu.memory_space<hbm>> -> memref<1x16xf32, #tpu.memory_space<hbm>>
        %dma_start3A_362 = tpu.memref_squeeze %dma_start3A_361 : memref<1x16xf32, #tpu.memory_space<hbm>> -> memref<16xf32, #tpu.memory_space<hbm>>
        %dma_start3A_363 = arith.constant 0 : i32
        %dma_start3A_364 = tpu.memref_slice %arg5[%arg0, %dma_start3A_363] : memref<2x16xf32, #tpu.memory_space<hbm>> -> memref<1x16xf32, #tpu.memory_space<hbm>>
        %dma_start3A_365 = tpu.memref_squeeze %dma_start3A_364 : memref<1x16xf32, #tpu.memory_space<hbm>> -> memref<16xf32, #tpu.memory_space<hbm>>
        tpu.enqueue_dma source(%arg15 : memref<16xf32, #tpu.memory_space<vmem>>) target(%dma_start3A_365 : memref<16xf32, #tpu.memory_space<hbm>>) target_semaphore(%run_scoped3A : memref<!tpu.dma_semaphore, #tpu.memory_space<semaphore_mem>>)
        %dma_wait3A = arith.constant 0 : i32
        %dma_wait3A_366 = tpu.memref_slice %arg5[%arg0, %dma_wait3A] : memref<2x16xf32, #tpu.memory_space<hbm>> -> memref<1x16xf32, #tpu.memory_space<hbm>>
        %dma_wait3A_367 = tpu.memref_squeeze %dma_wait3A_366 : memref<1x16xf32, #tpu.memory_space<hbm>> -> memref<16xf32, #tpu.memory_space<hbm>>
        %dma_wait3A_368 = arith.constant 0 : i32
        %dma_wait3A_369 = tpu.memref_slice %arg5[%arg0, %dma_wait3A_368] : memref<2x16xf32, #tpu.memory_space<hbm>> -> memref<1x16xf32, #tpu.memory_space<hbm>>
        %dma_wait3A_370 = tpu.memref_squeeze %dma_wait3A_369 : memref<1x16xf32, #tpu.memory_space<hbm>> -> memref<16xf32, #tpu.memory_space<hbm>>
        tpu.wait_dma2 semaphore(%run_scoped3A : memref<!tpu.dma_semaphore, #tpu.memory_space<semaphore_mem>>) src(%arg15 : memref<16xf32, #tpu.memory_space<vmem>>) dst(%dma_wait3A_370 : memref<16xf32, #tpu.memory_space<hbm>>)
        tpu.yield
      }) : () -> ()
    } else {
    }
    return
  }
}

module attributes {stable_mosaic.version = 14 : i64} {
  func.func @_mm_body(%arg0: i32, %arg1: memref<1000x1000xbf16, #tpu.memory_space<vmem>>, %arg2: memref<1x1x2048xi32, #tpu.memory_space<vmem>>, %arg3: memref<1000x2048xf32, #tpu.memory_space<vmem>>) attributes {dimension_semantics = [#tpu.dimension_semantics<parallel>], iteration_bounds = array<i64: 25>, scalar_prefetch = 0 : i64, scratch_operands = 0 : i64, tpu.core_type = #tpu.core_type<tc>, window_params = [{pipeline_mode = #tpu.pipeline_mode<synchronous>, transform_indices = @transform_0, window_bounds = array<i64: 1000, 1000>}, {transform_indices = @transform_1, window_bounds = array<i64: 1, 1, 2048>}, {transform_indices = @transform_2, window_bounds = array<i64: 1000, 2048>}]} {
    %get3A = arith.constant 0 : index
    %get3A_0 = arith.constant 0 : index
    %get3A_1 = arith.constant 0 : index
    %get3A_2 = vector.load %arg2[%get3A, %get3A_0, %get3A_1] : memref<1x1x2048xi32, #tpu.memory_space<vmem>>, vector<1x1x2048xi32>
    %get3A_3 = vector.shape_cast %get3A_2 : vector<1x1x2048xi32> to vector<2048xi32>
    %iota3A = tpu.iota {dimensions = array<i32: 0>} : vector<1000x2048xi32>
    %broadcast_in_dim3A = vector.shape_cast %get3A_3 : vector<2048xi32> to vector<1x2048xi32>
    %eq3A = vector.broadcast %broadcast_in_dim3A : vector<1x2048xi32> to vector<1000x2048xi32>
    %eq3A_4 = arith.cmpi eq, %iota3A, %eq3A : vector<1000x2048xi32>
    %convert_element_type3A = arith.extui %eq3A_4 : vector<1000x2048xi1> to vector<1000x2048xi32>
    %convert_element_type3A_5 = arith.sitofp %convert_element_type3A : vector<1000x2048xi32> to vector<1000x2048xf32>
    %convert_element_type3A_6 = arith.truncf %convert_element_type3A_5 : vector<1000x2048xf32> to vector<1000x2048xbf16>
    %get3A_7 = arith.constant 0 : index
    %get3A_8 = arith.constant 0 : index
    %get3A_9 = vector.load %arg1[%get3A_7, %get3A_8] : memref<1000x1000xbf16, #tpu.memory_space<vmem>>, vector<1000x1000xbf16>
    %dot_general3A = arith.constant dense<0.000000e+00> : vector<1000x2048xf32>
    %dot_general3A_10 = tpu.matmul %get3A_9, %convert_element_type3A_6, %dot_general3A {dimension_numbers = #tpu.dot_dimension_numbers<[1], [0], [0], [1], [0, 0, 1, 1], [], []>, transpose_lhs_hint = false} : vector<1000x1000xbf16>, vector<1000x2048xbf16>, vector<1000x2048xf32> -> vector<1000x2048xf32>
    %swap3A = arith.constant 0 : index
    %swap3A_11 = arith.constant 0 : index
    %swap3A_12 = vector.load %arg3[%swap3A, %swap3A_11] : memref<1000x2048xf32, #tpu.memory_space<vmem>>, vector<1000x2048xf32>
    tpu.vector_store %arg3[%swap3A, %swap3A_11], %dot_general3A_10 {strides = array<i32>} : memref<1000x2048xf32, #tpu.memory_space<vmem>>, vector<1000x2048xf32>,
    return
  }
  func.func @transform_0(%arg0: i32) -> (i32, i32) {
    %c0_i32 = arith.constant 0 : i32
    %c0_i32_0 = arith.constant 0 : i32
    %c0_i32_1 = arith.constant 0 : i32
    return %c0_i32, %c0_i32_0 : i32, i32
  }
  func.func @transform_1(%arg0: i32) -> (i32, i32, i32) {
    %c0_i32 = arith.constant 0 : i32
    %c0_i32_0 = arith.constant 0 : i32
    %c0_i32_1 = arith.constant 0 : i32
    return %arg0, %c0_i32, %c0_i32_0 : i32, i32, i32
  }
  func.func @transform_2(%arg0: i32) -> (i32, i32) {
    %c0_i32 = arith.constant 0 : i32
    %c0_i32_0 = arith.constant 0 : i32
    return %c0_i32, %arg0 : i32, i32
  }
}

</mosaic_0001>

<sc_bundles>
// kernel: kernel.4.cloned.1.call-start
scs
__scs_entry_jumppad:
0x0: {  	(pc) =	sbr.rel $0x88, $3  }
0x1: {  	(tag) =	ssettag $0x0;
	lr =	simm.s32 $0x1  }
0x2: {  	[smem:$0x3F9E] =	sst lr;
	_ =	strace $0xD0000000  }
0x3: {  	_ = 	snop  }
0x4: {  	_ = 	snop  }
0x5: {  	_ = 	snop  }
0x6: {  	_ = 	snop  }
0x7: {  	_ = 	snop  }
__scs_overlays_trampoline_lowered:
0x8: {  	[smem:$0x3FAD] =	sst s0  }
0x9: {  	[smem:$0x3FAE] =	sst s1  }
0xa: {  	[smem:$0x3FAF] =	sst s2  }
0xb: {  	[smem:$0x3FB0] =	sst s3  }
0xc: {  	[smem:$0x3FB1] =	sst s4  }
0xd: {  	[smem:$0x3FB2] =	sst s5  }
0xe: {  	[smem:$0x3FB3] =	sst s6  }
0xf: {  	[smem:$0x3FB4] =	sst s7  }
0x10: {  	[smem:$0x3FB5] =	sst s8  }
0x11: {  	[smem:$0x3FB6] =	sst s9;
	s0 =	simm.s32 @!p0 $0x0  }
0x12: {  	s1 =	sld [smem:$0x3F9C];
	s0 =	simm.s32 @p0 $0x1  }
0x13: {  	[smem:$0x3FB7] =	sst s0;
	s0 =	simm.s32 @!p1 $0x0  }
0x14: {  	s2 =	sld [smem:$0x3F9B];
	s0 =	simm.s32 @p1 $0x1  }
0x15: {  	[smem:$0x3FB8] =	sst s0;
	s0 =	simm.s32 @!p2 $0x0  }
0x16: {  	s3 =	sld [smem:$0x3FDB];
	s0 =	simm.s32 @p2 $0x1  }
0x17: {  	s4 =	simm.s32 $0x1BF5;
	[smem:$0x3FBA] =	sst s0  }
0x18: {  	s0 =	sld [smem:$0x3F9D];
	_ =	swait.ge [sflag:s4], $0x0  }
0x19: {  	s7 =	sld [smem:$0x3F9E]  }
0x1a: {  	s8 =	sadd.s32 $0xFFFFE003, lr  }
0x1b: {  	s9 =	sadd.s32 $0xFFFFFEF7, lr;
	s5 =	simm.s32 $0xFFFFFFFF;
	p2 =	slt.u32 s8, $0xFFFFF086  }
0x1c: {  	p1 =	slt.u32 s9, $0xF7A;
	s5 =	simm.s32 @!p2 $0x0  }
0x1d: {  	s5 =	simm.s32 @p1 $0x1;
	p0 =	seq.s32 s7, s2  }
0x1e: {  	s7 =	smul.u32 @!p0 $0xF7A, s2;
	p2 =	seq.s32 @!p0 s5, $0x0  }
0x1f: {  	s9 =	smul.u32 $0xF7A, s1;
	s8 =	simm.s32 @!p0 $0x1BF5;
	p2 =	por !p2, p0  }
0x20: {  	[sflag:s8] =	ssyncset.s32 @!p0 $0xFFFFF086;
	s6 =	sadd.s32 @!p0 s3, s7;
	s7 =	simm.s32 @!p0 $0x108  }
0x21: {  	s3 =	sadd.s32 s3, s9;
	s6 =	sadd.s32 @!p0 $0x88, s6;
	s7 =	simm.s32 @p2 $0x1082  }
0x22: {  	[simem:s7], [sflag:s8] =	dma.local @!p0 [hbm:s6], $0xF7A  }
0x23: {  	s9 =	sor.u32 $0xD0000000, s2;
	s6 =	simm.s32 $0x108;
	_ =	swait.ge @!p0 [sflag:s8], $0x0  }
0x24: {  	s3 =	sadd.s32 $0x88, s3;
	s6 =	simm.s32 @!p1 $0x1082;
	[sflag:s4] =	ssyncset.s32 $0xFFFFF086  }
0x25: {  	[simem:s6], [sflag:s4] =	dma.local [hbm:s3], $0xF7A  }
0x26: {  	[smem:$0x3F9E] =	sst s1;
	(tag) =	ssettag s2;
	_ =	strace s9  }
0x27: {  	s1 =	sld [smem:$0x3FAE]  }
0x28: {  	s2 =	sld [smem:$0x3FAF]  }
0x29: {  	s4 =	sld [smem:$0x3FB1]  }
0x2a: {  	p0 =	seq.s32 s5, $0x0;
	s5 =	sld [smem:$0x3FB2]  }
0x2b: {  	s6 =	sld [smem:$0x3FB3]  }
0x2c: {  	s7 =	sld [smem:$0x3FB4]  }
0x2d: {  	s3 =	simm.s32 $0x108;
	s8 =	sld [smem:$0x3FB5]  }
0x2e: {  	s3 =	simm.s32 @!p0 $0x1082;
	s9 =	sld [smem:$0x3FB6]  }
0x2f: {  	lr =	sadd.s32 s0, s3;
	s0 =	sld [smem:$0x3FAD]  }
0x30: {  	s3 =	sld [smem:$0x3FB0]  }
0x31: {  	[smem:$0x3FB9] =	sst s10  }
0x32: {  	s10 =	sld [smem:$0x3FB7];
	_ =	sdelay $0x3  }
0x33: {  	p0 =	seq.s32 s10, $0x1;
	s10 =	sld [smem:$0x3FB9];
	_ =	sdelay $0x3  }
0x34: {  	[smem:$0x3FB9] =	sst s10  }
0x35: {  	s10 =	sld [smem:$0x3FB8];
	_ =	sdelay $0x3  }
0x36: {  	p1 =	seq.s32 s10, $0x1;
	s10 =	sld [smem:$0x3FB9];
	_ =	sdelay $0x3  }
0x37: {  	[smem:$0x3FB9] =	sst s10  }
0x38: {  	s10 =	sld [smem:$0x3FBA]  }
0x39: {  	_ = 	snop;
	(pc) =	sbr.ind lr, $3  }
0x3a: {  	_ = 	snop  }
0x3b: {  	_ = 	snop  }
0x3c: {  	p2 =	seq.s32 s10, $0x1;
	s10 =	sld [smem:$0x3FB9]  }
0x3d: {  	_ =	shalt  }
0x3e: {  	_ =	shalt  }
0x3f: {  	_ =	shalt  }
0x40: {  	_ =	shalt  }
0x41: {  	_ =	shalt  }
0x42: {  	_ =	shalt  }
0x43: {  	_ =	shalt  }
0x44: {  	_ =	shalt  }
0x45: {  	_ =	shalt  }
0x46: {  	_ =	shalt  }
0x47: {  	_ =	shalt  }
0x48: {  	_ =	shalt  }
0x49: {  	_ =	shalt  }
0x4a: {  	_ =	shalt  }
0x4b: {  	_ =	shalt  }
0x4c: {  	_ =	shalt  }
0x4d: {  	_ =	shalt  }
0x4e: {  	_ =	shalt  }
0x4f: {  	_ =	shalt  }
0x50: {  	_ =	shalt  }
0x51: {  	_ =	shalt  }
0x52: {  	_ =	shalt  }
0x53: {  	_ =	shalt  }
0x54: {  	_ =	shalt  }
0x55: {  	_ =	shalt  }
0x56: {  	_ =	shalt  }
0x57: {  	_ =	shalt  }
0x58: {  	_ =	shalt  }
0x59: {  	_ =	shalt  }
0x5a: {  	_ =	shalt  }
0x5b: {  	_ =	shalt  }
0x5c: {  	_ =	shalt  }
0x5d: {  	_ =	shalt  }
0x5e: {  	_ =	shalt  }
0x5f: {  	_ =	shalt  }
0x60: {  	_ =	shalt  }
0x61: {  	_ =	shalt  }
0x62: {  	_ =	shalt  }
0x63: {  	_ =	shalt  }
0x64: {  	_ =	shalt  }
0x65: {  	_ =	shalt  }
0x66: {  	_ =	shalt  }
0x67: {  	_ =	shalt  }
0x68: {  	_ =	shalt  }
0x69: {  	_ =	shalt  }
0x6a: {  	_ =	shalt  }
0x6b: {  	_ =	shalt  }
0x6c: {  	_ =	shalt  }
0x6d: {  	_ =	shalt  }
0x6e: {  	_ =	shalt  }
0x6f: {  	_ =	shalt  }
0x70: {  	_ =	shalt  }
0x71: {  	_ =	shalt  }
0x72: {  	_ =	shalt  }
0x73: {  	_ =	shalt  }
0x74: {  	_ =	shalt  }
0x75: {  	_ =	shalt  }
0x76: {  	_ =	shalt  }
0x77: {  	_ =	shalt  }
0x78: {  	_ =	shalt  }
0x79: {  	_ =	shalt  }
0x7a: {  	_ =	shalt  }
0x7b: {  	_ =	shalt  }
0x7c: {  	_ =	shalt  }
0x7d: {  	_ =	shalt  }
0x7e: {  	_ =	shalt  }
0x7f: {  	_ =	shalt  }
0x80: {  	_ =	shalt  }
0x81: {  	_ =	shalt  }
0x82: {  	_ =	shalt  }
0x83: {  	_ =	shalt  }
0x84: {  	_ =	shalt  }
0x85: {  	_ =	shalt  }
0x86: {  	_ =	shalt  }
0x87: {  	_ =	shalt  }
.Lfunc_end0:
.L_simem_size_0:
called_computation_lowered:
.L_overlay_start_0:
0x88: {  	s2 =	sld [smem:$0x3FD9]  }
0x89: {  	s3 =	sld [smem:$0x3FFE];
	_ =	sdelay $0x1  }
0x8a: {  	s1 =	srdreg.scid  }
0x8b: {  	s0 =	sand.u32 $0x1, s1  }
0x8c: {  	s14 =	sshll.u32 s0, $0xA;
	s2 =	sadd.s32 s3, s2  }
0x8d: {  	s2 =	sadd.s32 s2, s14  }
0x8e: {  	[smem:$0x3FC5] =	sst s2  }
0x8f: {  	_ = 	snop  }
0x90: {  	s2 =	sld [smem:$0x3FD0];
	_ =	sdelay $0x2  }
0x91: {  	s15 =	simm.s32 $0xA;
	s4 =	simm.s32 $0x10  }
0x92: {  	[smem:s4], [sflag:s15] =	dma.local [hbm:s2], $0x1  }
0x93: {  	_ =	swait.eq [sflag:s15], $0x1  }
0x94: {  	[sflag:s15] =	ssyncset.done $0x0  }
0x95: {  	[sflag:s15] =	ssyncadd.s32 $0xFFFFFFFF  }
0x96: {  	s16 =	sld [smem:$0x11];
	(tm) =	ssettm $0x1  }
0x97: {  	s17 =	sld [smem:$0x3FFB];
	_ =	sdelay $0x3  }
0x98: {  	_ =	strace s17  }
0x99: {  	s3 =	sld [smem:$0x3FFC];
	_ =	sdelay $0x3  }
0x9a: {  	_ =	strace s3  }
0x9b: {  	s3 =	sld [smem:$0x3FFD];
	_ =	sdelay $0x3  }
0x9c: {  	_ =	strace s3  }
0x9d: {  	_ =	strace $0x8FFFFFFF  }
0x9e: {  	s18 =	sld [smem:$0x3FDB];
	_ =	sdelay $0x1  }
0x9f: {  	s19 =	simm.s32 $_scs_section_size  }
0xa0: {  	s5 =	simm.s32 $_size__tile_overlayer_lowered;
	s6 =	simm.s32 $_tile_overlayer_lowered  }
0xa1: {  	s22 =	simm.s32 $0x1BFF;
	s21 =	sshll.u32 s6, $0x1;
	s3 =	sadd.s32 s19, s18  }
0xa2: {  	s7 =	simm.s32 $0x0;
	s20 =	sshll.u32 s5, $0x1;
	s5 =	sadd.s32 s21, s3  }
0xa3: {  	[timem:s7], [sflag:s22] =	dma.local [hbm:s5], s20  }
0xa4: {  	_ =	swait.ge [sflag:s22], s20  }
0xa5: {  	s4 =	ssub.s32 $0x0, s20;
	[sflag:s22] =	ssyncset.done $0x0  }
0xa6: {  	[sflag:s22] =	ssyncadd.s32 s4;
	_ =	sdelay $0x1  }
0xa7: {  	s23 =	simm.s32 $0x1B8B  }
0xa8: {  	_ =	swait.ge [sflag:s23], $0x1  }
0xa9: {  	[sflag:s23] =	ssyncset.done $0x0  }
0xaa: {  	s25 =	simm.s32 $0x1B8E;
	s24 =	sld [smem:$0x3FFE];
	[sflag:s23] =	ssyncadd.s32 $0xFFFFFFFF  }
0xab: {  	s26 =	simm.s32 $execute0_lowered;
	[smem:$0x3FD2] =	sst s25  }
0xac: {  	s5 =	sshll.u32 s26, $0x1;
	_ =	strace $0x80000046;
	[dreg:$0x1] =	wrdreg $0xFFFFFFFF  }
0xad: {  	s28 =	simm.s32 $_size_execute0_lowered;
	s3 =	sadd.s32 s3, s5;
	[dreg:$0x0] =	wrdreg $0x0  }
0xae: {  	s5 =	sshll.u32 s28, $0x1;
	[dreg:$0x2] =	wrdreg s3  }
0xaf: {  	[dreg:$0x3] =	wrdreg s5  }
0xb0: {  	[dreg:$0x4] =	wrdreg $0xC0  }
0xb1: {  	_ =	task [dreg:s7], $0x5FFFF  }
0xb2: {  	[dreg:$0x1] =	wrdreg $0xFFFFFFFF  }
0xb3: {  	[dreg:$0x0] =	wrdreg $0x60  }
0xb4: {  	[dreg:$0x2] =	wrdreg s24  }
0xb5: {  	[dreg:$0x3] =	wrdreg s16  }
0xb6: {  	[dreg:$0x4] =	wrdreg $0x0  }
0xb7: {  	[dreg:$0x5] =	wrdreg $0xF4380  }
0xb8: {  	[dreg:$0x6] =	wrdreg $0xF4280  }
0xb9: {  	[dreg:$0x7] =	wrdreg $0x9  }
0xba: {  	_ =	task.clear_ibuf [dreg:s7], $0x8FFFF;
	_ =	strace $0x90000046  }
0xbb: {  	s29 =	simm.s32 $0x9;
	_ =	strace $0x80000048  }
0xbc: {  	_ =	swait.ge [sflag:s29], $0x1  }
0xbd: {  	[sflag:s29] =	ssyncadd.s32 $0xFFFFFFFF  }
0xbe: {  	_ =	strace $0x90000048  }
0xbf: {  	_ =	sfence  }
0xc0: {  	s30 =	sld [smem:$0x0];
	_ =	sdelay $0x2  }
0xc1: {  	s31 =	sshll.u32 s1, $0xD;
	s1 =	sshrl.u32 s1, $0x2  }
0xc2: {  	s3 =	sand.u32 $0x4000, s31;
	s1 =	sadd.s32 s1, s30  }
0xc3: {  	s0 =	sor.u32 s3, s0;
	s1 =	sshll.u32 s1, $0x11  }
0xc4: {  	s0 =	sor.u32 s1, s0  }
0xc5: {  	s0 =	sadd.s32 $0x8F2B, s0  }
0xc6: {  	[sflag:s0] =	ssyncadd.remote.s32 $0x1  }
0xc7: {  	_ =	sfence.sel $0xFFFF  }
0xc8: {  	[dreg:$0x0] =	wrdreg $0xFFFFFFFF;
	(pc) =	sbr.abs _section_cstart, $3  }
0xc9: {  	[dreg:$0x1] =	wrdreg $0xFFFFFFFF  }
0xca: {  	_ =	task.clear_ibuf [dreg:s7], $0x2FFFF;
	_ =	strace $0x9FFFFFFF  }
0xcb: {  	(tm) =	ssettm $0x7FFFFFFF  }
tec
execute0_lowered:
.L_overlay_start_1:
0x0: {  	(tag) =	ssettag $0x1  }
0x1: {  	s5 =	rddreg [dreg:$0x0]  }
0x2: {  	s14 =	rddreg [dreg:$0x1]  }
0x3: {  	s1 =	rddreg [dreg:$0x2]  }
0x4: {  	s2 =	rddreg [dreg:$0x3]  }
0x5: {  	s3 =	rddreg [dreg:$0x4]  }
0x6: {  	s0 =	rddreg [dreg:$0x5];
	s4 =	simm.s32 $0x0;
	s25 =	stileid.u32  }
0x7: {  	s6 =	srdreg.scid;
	s18 =	simm.s32 $0xF478;
	s19 =	simm.s32 $0x1  }
0x8: {  	s20 =	simm.s32 $0xFAB8;
	s21 =	simm.s32 $0x11280;
	s22 =	simm.s32 $0x116A8  }
0x9: {  	s23 =	simm.s32 $0x10738;
	s24 =	simm.s32 $0x40;
	s26 =	simm.s32 $0x0  }
0xa: {  	s7 =	smul.u32 $0x1E848, s25;
	s15 =	sand.u32 $0x1, s6;
	s31 =	sshll.u32 s25, $0x1  }
0xb: {  	[smem:$0x7FF] =	sst s4;
	p0 =	sgt.u32 s25, $0x7;
	p1 =	sne.s32 s25, $0x0  }
0xc: {  	s6 =	sor.u32 s15, s31;
	s9 =	ssub.s32 $0x2, s15;
	_ =	strace $0x80000047  }
0xd: {  	s15 =	sshll.u32 s15, $0x1;
	s8 =	sshrl.u32 s7, $0x3;
	s6 =	smul.u32 $0xC8, s6  }
0xe: {  	s10 =	sshrl.u32 s9, $0x1;
	s17 =	sadd.s32 s7, s1;
	s7 =	sshll.u32 s25, $0x6  }
0xf: {  	s14 =	sadd.s32 s14, s15;
	s8 =	sadd.s32 s8, s5;
	s16 =	ssub.s32 s9, s10  }
0x10: {  	s9 =	sor.u32 $0x10, s7;
	s10 =	sor.u32 $0x20, s7;
	s12 =	sadd.s32 s7, s2  }
0x11: {  	s13 =	sshrl.u32 s7, $0x2;
	s17 =	sshrl.u32 @!p0 s17, $0x3;
	s11 =	sadd.s32 s6, s5  }
0x12: {  	s5 =	sadd.s32 $0x3600, s8;
	s13 =	sadd.s32 s13, s3;
	s15 =	smax.u32 s16, $0x1  }
0x13: {  	v0 =	vimm.f32 $0.0e+00;
	s16 =	sshll.u32 @!p0 s25, $0x6;
	s25 =	simm.s32 $0x11160;
	s6 =	sadd.s32 $0x200, s11  }
0x14: {  	v1 =	vimm.f32 $2.000000000e+00;
	vm0 =	vmmov $0xff;
	v2 =	vlaneseq.u32;
	s8 =	sadd.s32 $0x1C00, s11;
	s11 =	sor.u32 $0x30, s7;
	s16 =	sor.u32 @!p0 $0x1C01, s16  }
.LBB2_1:
0x15: {  	[spmem:s17], [sflag:s16] =	dma.local @!p0 [hbm:s5], $0x3D09  }
0x16: {  	s28 =	simm.s32 @!p0 $0x1  }
0x17: {  	_ =	swait.ge @!p0 [sflag:s28], $0x3D09  }
0x18: {  	[sflag:s28] =	ssyncset.done @!p0 $0x0  }
0x19: {  	[sflag:s28] =	ssyncadd.s32 @!p0 $0xFFFFC2F7  }
0x1a: {  	[tilespmem:s18], [sflag:$0x1] =	stream.linear.gather [hbm4b:s6+s4], $0x640, $0x38;
	[tilespmem:$0x116E8] =	vst v63  }
0x1b: {  	_ =	swait.ge [sflag:s19], $0x640  }
0x1c: {  	[sflag:s19] =	ssyncset.done $0x0  }
0x1d: {  	[sflag:s19] =	ssyncadd.s32 $0xFFFFF9C0  }
0x1e: {  	[tilespmem:s20], [sflag:$0x1] =	stream.linear.gather [hbm4b:s8+s4], $0x640, $0x38;
	[tilespmem:$0x116E8] =	vst v63  }
0x1f: {  	_ =	swait.ge [sflag:s19], $0x640  }
0x20: {  	[sflag:s19] =	ssyncset.done $0x0  }
0x21: {  	s28 =	simm.s32 $0x0;
	[sflag:s19] =	ssyncadd.s32 $0xFFFFF9C0  }
0x22: {  	v3 =	vld [tilespmem:s28+$0xF478]  }
0x23: {  	s29 =	simm.s32 $0x40;
	v4 =	vld [tilespmem:s28+$0xFAB8]  }
.LBB2_2:
0x24: {  	_ = 	snop  }
0x25: {  	p2 =	sne.s32 s29, $0x18C0  }
.Ltmp0:
0x26: {  	_ = 	snop;
	(pc) =	sbr.rel @p2 .LBB2_2-.Ltmp0, $4  }
0x27: {  	v5 =	vmul.u32 $0x3E8, v3  }
0x28: {  	s30 =	sshra.s32 s29, $0x2  }
0x29: {  	v3 =	vld [tilespmem:s30+$0xF478];
	v5 =	vadd.s32 v4, v5  }
0x2a: {  	s29 =	sadd.s32 $0x40, s29;
	v4 =	vld [tilespmem:s30+$0xFAB8];
	[tilespmem:s28+$0x100F8] =	vst v5;
	s28 =	smov.u32 s30  }
0x2b: {  	_ =	sdelay $0x2  }
0x2c: {  	v3 =	vmul.u32 $0x3E8, v3;
	_ =	sdelay $0x1  }
0x2d: {  	v3 =	vadd.s32 v4, v3  }
0x2e: {  	[tilespmem:s28+$0x100F8] =	vst v3  }
0x2f: {  	[tilespmem:$0x11160] =	vst v0  }
0x30: {  	[tilespmem:$0x11170] =	vst v0  }
0x31: {  	[bflag:$0x0] =	sbarrier.arrive $0xFFFF  }
0x32: {  	[tilespmem:$0x11688] =	vst v0  }
0x33: {  	s28 =	simm.s32 $0x0;
	[tilespmem:$0x11698] =	vst v1  }
.LBB2_4:
0x34: {  	s29 =	sadd.s32 s7, s28  }
0x35: {  	s29 =	smul.u32 $0xFA0, s29;
	_ =	sdelay $0x1  }
0x36: {  	s29 =	sshra.s32 s29, $0x2  }
0x37: {  	s29 =	sadd.s32 s29, s1  }
0x38: {  	[tilespmem:s21], [sflag:$0x1] =	stream.linear.gather [spmem:s29], $0x3E8, $0x38;
	[tilespmem:$0x116E8] =	vst v63  }
0x39: {  	_ =	swait.ge [sflag:s19], $0x3E8  }
0x3a: {  	[sflag:s19] =	ssyncset.done $0x0  }
0x3b: {  	[sflag:s19] =	ssyncadd.s32 $0xFFFFFC18  }
0x3c: {  	v3 =	vld [tilespmem:$0x11280];
	_ =	sdelay $0x4  }
0x3d: {  	s30 =	simm.s32 $0x10;
	s29 =	simm.s32 $0x80;
	[tilespmem:$0x11668] =	vst v3  }
.LBB2_5:
0x3e: {  	p2 =	sne.s32 s29, $0xF40;
	v4 =	vld [tilespmem:s30+$0x11280];
	_ =	sdelay $0x1  }
.Ltmp1:
0x3f: {  	(pc) =	sbr.rel @p2 .LBB2_5-.Ltmp1, $3  }
0x40: {  	_ =	sdelay $0x1  }
0x41: {  	v3 =	vmax.f32 v3, v4  }
0x42: {  	s30 =	sshra.s32 s29, $0x2;
	s29 =	sadd.s32 $0x40, s29;
	[tilespmem:$0x11668] =	vst v3  }
0x43: {  	v5 =	vld [tilespmem:s30+$0x11280]  }
0x44: {  	v4 =	vld [tilespmem:$0x11658];
	_ =	sdelay $0x4  }
0x45: {  	v3 =	vmax.f32 v3, v5;
	v5 =	vsel vm0, $0xFF61B1E6, v4  }
0x46: {  	v5 =	vmax.f32 v3, v5  }
0x47: {  	(xrf0) =	vmax.scan.msk.f32 $0xffff, v5;
	_ =	sdelay $0x4  }
0x48: {  	[tilespmem:$0x11668] =	vst v3  }
0x49: {  	[tilespmem:$0x11668] =	vst v5;
	v5 =	vimm.f32 $0.0e+00;
	v3, _, _ =	vpop (xrf0)  }
0x4a: {  	s30 =	simm.s32 $0x0;
	s29 =	simm.s32 $0x40;
	[tilespmem:$0x11678] =	vst v5;
	v3 =	vbroadcast v3, $0xF  }
.LBB2_7:
0x4b: {  	p2 =	sne.s32 s29, $0xF40;
	v6 =	vld [tilespmem:s30+$0x11280];
	_ =	sdelay $0x4  }
0x4c: {  	v6 =	vsub.f32 v6, v3;
	_ =	sdelay $0x1  }
0x4d: {  	v6 =	vmul.f32 $1.442695020e+00, v6;
	_ =	sdelay $0x1  }
0x4e: {  	(erf) = vpow2.f32 v6;
	_ =	sdelay $0x7  }
.Ltmp2:
0x4f: {  	(pc) =	sbr.rel @p2 .LBB2_7-.Ltmp2, $3  }
0x50: {  	v6 =	vpop (erf)  }
0x51: {  	v5 =	vadd.f32 v6, v5;
	_ =	sdelay $0x1  }
0x52: {  	s30 =	sshra.s32 s29, $0x2;
	s29 =	sadd.s32 $0x40, s29;
	[tilespmem:$0x11678] =	vst v5  }
0x53: {  	v6 =	vld [tilespmem:s30+$0x11280];
	_ =	sdelay $0x4  }
0x54: {  	v6 =	vsub.f32 v6, v3  }
0x55: {  	v4 =	vsub.f32 v4, v3  }
0x56: {  	v6 =	vmul.f32 $1.442695020e+00, v6  }
0x57: {  	v4 =	vmul.f32 $1.442695020e+00, v4  }
0x58: {  	(erf) = vpow2.f32 v6  }
0x59: {  	(erf) = vpow2.f32 v4;
	_ =	sdelay $0x7  }
0x5a: {  	v4 =	vpop (erf)  }
0x5b: {  	v4 =	vadd.f32 v4, v5;
	v5 =	vpop (erf)  }
0x5c: {  	v5 =	vsel vm0, $0x0, v5  }
0x5d: {  	v5 =	vadd.f32 v4, v5  }
0x5e: {  	[tilespmem:$0x11678] =	vst v4  }
0x5f: {  	[tilespmem:$0x11678] =	vst v5  }
0x60: {  	v4 =	vld [tilespmem:$0x11678];
	_ =	sdelay $0x4  }
0x61: {  	(xrf2) =	vadd.scan.msk.f32 $0xffff, v4;
	_ =	sdelay $0x6  }
0x62: {  	v4 =	vld [tilespmem:$0x11688]  }
0x63: {  	v62 =	vmov s28;
	s28 =	sadd.s32 $0x1, s28;
	v5 =	vld [tilespmem:$0x11698]  }
0x64: {  	p2 =	sne.s32 s28, $0x10  }
.Ltmp3:
0x65: {  	v7, _, _ =	vpop (xrf2);
	(pc) =	sbr.rel @p2 .LBB2_4-.Ltmp3, $4  }
0x66: {  	vm1 =	veq.s32 v62, v2;
	v63 =	vbroadcast v7, $0xF  }
0x67: {  	v3 =	vsel vm1, v3, v4  }
0x68: {  	[tilespmem:$0x11688] =	vst v3;
	v3 =	vsel vm1, v63, v5  }
0x69: {  	[tilespmem:$0x11698] =	vst v3  }
0x6a: {  	v4 =	vshrl.u32 v3, $0x17  }
0x6b: {  	v4 =	vand.u32 $0xFF, v4  }
0x6c: {  	v4 =	vadd.s32 $0xFFFFFF81, v4  }
0x6d: {  	v4 =	vcvt.s32.f32 v4;
	_ =	sdelay $0x1  }
0x6e: {  	v4 =	vmul.f32 $6.931471820e-01, v4;
	_ =	sdelay $0x1  }
0x6f: {  	v5 =	vsub.f32 $0.0e+00, v4;
	_ =	sdelay $0x1  }
0x70: {  	v5 =	vmul.f32 $1.442695020e+00, v5;
	_ =	sdelay $0x1  }
0x71: {  	(erf) = vpow2.f32 v5;
	_ =	sdelay $0x8  }
0x72: {  	v5 =	vpop (erf)  }
0x73: {  	v5 =	vmul.f32 v5, v3;
	_ =	sdelay $0x1  }
0x74: {  	v4 =	vadd.f32 v5, v4;
	_ =	sdelay $0x1  }
0x75: {  	v4 =	vadd.f32 $-1.000000000e+00, v4;
	_ =	sdelay $0x1  }
0x76: {  	v59 =	vsub.f32 $0.0e+00, v4;
	_ =	sdelay $0x1  }
0x77: {  	v5 =	vmul.f32 $1.442695020e+00, v59;
	_ =	sdelay $0x1  }
0x78: {  	(erf) = vpow2.f32 v5;
	_ =	sdelay $0x8  }
0x79: {  	v5 =	vpop (erf)  }
0x7a: {  	v5 =	vmul.f32 v5, v3;
	_ =	sdelay $0x1  }
0x7b: {  	v4 =	vadd.f32 v5, v4;
	_ =	sdelay $0x1  }
0x7c: {  	v4 =	vadd.f32 $-1.000000000e+00, v4;
	_ =	sdelay $0x1  }
0x7d: {  	v60 =	vsub.f32 $0.0e+00, v4;
	_ =	sdelay $0x1  }
0x7e: {  	v5 =	vmul.f32 $1.442695020e+00, v60;
	_ =	sdelay $0x1  }
0x7f: {  	(erf) = vpow2.f32 v5;
	_ =	sdelay $0x8  }
0x80: {  	v5 =	vpop (erf)  }
0x81: {  	v5 =	vmul.f32 v5, v3;
	_ =	sdelay $0x1  }
0x82: {  	v4 =	vadd.f32 v5, v4;
	_ =	sdelay $0x1  }
0x83: {  	v4 =	vadd.f32 $-1.000000000e+00, v4;
	_ =	sdelay $0x1  }
0x84: {  	v61 =	vsub.f32 $0.0e+00, v4;
	_ =	sdelay $0x1  }
0x85: {  	v5 =	vmul.f32 $1.442695020e+00, v61;
	_ =	sdelay $0x1  }
0x86: {  	(erf) = vpow2.f32 v5;
	_ =	sdelay $0x8  }
0x87: {  	v5 =	vpop (erf)  }
0x88: {  	v5 =	vmul.f32 v5, v3;
	_ =	sdelay $0x1  }
0x89: {  	v4 =	vadd.f32 v5, v4;
	_ =	sdelay $0x1  }
0x8a: {  	v4 =	vadd.f32 $-1.000000000e+00, v4;
	_ =	sdelay $0x1  }
0x8b: {  	v62 =	vsub.f32 $0.0e+00, v4;
	_ =	sdelay $0x1  }
0x8c: {  	v5 =	vmul.f32 $1.442695020e+00, v62;
	_ =	sdelay $0x1  }
0x8d: {  	(erf) = vpow2.f32 v5;
	_ =	sdelay $0x8  }
0x8e: {  	v5 =	vpop (erf)  }
0x8f: {  	v3 =	vmul.f32 v5, v3  }
0x90: {  	v63 =	vld [tilespmem:$0x11688]  }
0x91: {  	v3 =	vadd.f32 v3, v4;
	_ =	sdelay $0x1  }
0x92: {  	v3 =	vadd.f32 $-1.000000000e+00, v3;
	_ =	sdelay $0x1  }
0x93: {  	[tilespmem:$0x11688] =	vst v0;
	v3 =	vadd.f32 v3, v63  }
0x94: {  	[tilespmem:$0x11698] =	vst v1  }
0x95: {  	s28 =	simm.s32 $0x0;
	[tilespmem:$0x116A8] =	vst v3  }
.LBB2_10:
0x96: {  	s29 =	sadd.s32 s9, s28  }
0x97: {  	s29 =	smul.u32 $0xFA0, s29;
	_ =	sdelay $0x1  }
0x98: {  	s29 =	sshra.s32 s29, $0x2  }
0x99: {  	s29 =	sadd.s32 s29, s1  }
0x9a: {  	[tilespmem:s21], [sflag:$0x1] =	stream.linear.gather [spmem:s29], $0x3E8, $0x38;
	[tilespmem:$0x116E8] =	vst v63  }
0x9b: {  	_ =	swait.ge [sflag:s19], $0x3E8  }
0x9c: {  	[sflag:s19] =	ssyncset.done $0x0  }
0x9d: {  	[sflag:s19] =	ssyncadd.s32 $0xFFFFFC18  }
0x9e: {  	v3 =	vld [tilespmem:$0x11280];
	_ =	sdelay $0x4  }
0x9f: {  	s30 =	simm.s32 $0x10;
	s29 =	simm.s32 $0x80;
	[tilespmem:$0x11668] =	vst v3  }
.LBB2_11:
0xa0: {  	p2 =	sne.s32 s29, $0xF40;
	v4 =	vld [tilespmem:s30+$0x11280];
	_ =	sdelay $0x1  }
.Ltmp4:
0xa1: {  	(pc) =	sbr.rel @p2 .LBB2_11-.Ltmp4, $3  }
0xa2: {  	_ =	sdelay $0x1  }
0xa3: {  	v3 =	vmax.f32 v3, v4  }
0xa4: {  	s30 =	sshra.s32 s29, $0x2;
	s29 =	sadd.s32 $0x40, s29;
	[tilespmem:$0x11668] =	vst v3  }
0xa5: {  	v5 =	vld [tilespmem:s30+$0x11280]  }
0xa6: {  	v4 =	vld [tilespmem:$0x11658];
	_ =	sdelay $0x4  }
0xa7: {  	v3 =	vmax.f32 v3, v5;
	v5 =	vsel vm0, $0xFF61B1E6, v4  }
0xa8: {  	v5 =	vmax.f32 v3, v5  }
0xa9: {  	(xrf0) =	vmax.scan.msk.f32 $0xffff, v5;
	_ =	sdelay $0x4  }
0xaa: {  	[tilespmem:$0x11668] =	vst v3  }
0xab: {  	[tilespmem:$0x11668] =	vst v5;
	v5 =	vimm.f32 $0.0e+00;
	v3, _, _ =	vpop (xrf0)  }
0xac: {  	s30 =	simm.s32 $0x0;
	s29 =	simm.s32 $0x40;
	[tilespmem:$0x11678] =	vst v5;
	v3 =	vbroadcast v3, $0xF  }
.LBB2_13:
0xad: {  	p2 =	sne.s32 s29, $0xF40;
	v6 =	vld [tilespmem:s30+$0x11280];
	_ =	sdelay $0x4  }
0xae: {  	v6 =	vsub.f32 v6, v3;
	_ =	sdelay $0x1  }
0xaf: {  	v6 =	vmul.f32 $1.442695020e+00, v6;
	_ =	sdelay $0x1  }
0xb0: {  	(erf) = vpow2.f32 v6;
	_ =	sdelay $0x7  }
.Ltmp5:
0xb1: {  	(pc) =	sbr.rel @p2 .LBB2_13-.Ltmp5, $3  }
0xb2: {  	v6 =	vpop (erf)  }
0xb3: {  	v5 =	vadd.f32 v6, v5;
	_ =	sdelay $0x1  }
0xb4: {  	s30 =	sshra.s32 s29, $0x2;
	s29 =	sadd.s32 $0x40, s29;
	[tilespmem:$0x11678] =	vst v5  }
0xb5: {  	v6 =	vld [tilespmem:s30+$0x11280];
	_ =	sdelay $0x4  }
0xb6: {  	v6 =	vsub.f32 v6, v3  }
0xb7: {  	v4 =	vsub.f32 v4, v3  }
0xb8: {  	v6 =	vmul.f32 $1.442695020e+00, v6  }
0xb9: {  	v4 =	vmul.f32 $1.442695020e+00, v4  }
0xba: {  	(erf) = vpow2.f32 v6  }
0xbb: {  	(erf) = vpow2.f32 v4;
	_ =	sdelay $0x7  }
0xbc: {  	v4 =	vpop (erf)  }
0xbd: {  	v4 =	vadd.f32 v4, v5;
	v5 =	vpop (erf)  }
0xbe: {  	v5 =	vsel vm0, $0x0, v5  }
0xbf: {  	v5 =	vadd.f32 v4, v5  }
0xc0: {  	[tilespmem:$0x11678] =	vst v4  }
0xc1: {  	[tilespmem:$0x11678] =	vst v5  }
0xc2: {  	v4 =	vld [tilespmem:$0x11678];
	_ =	sdelay $0x4  }
0xc3: {  	(xrf2) =	vadd.scan.msk.f32 $0xffff, v4;
	_ =	sdelay $0x6  }
0xc4: {  	v4 =	vld [tilespmem:$0x11688]  }
0xc5: {  	v62 =	vmov s28;
	s28 =	sadd.s32 $0x1, s28;
	v5 =	vld [tilespmem:$0x11698]  }
0xc6: {  	p2 =	sne.s32 s28, $0x10  }
.Ltmp6:
0xc7: {  	v7, _, _ =	vpop (xrf2);
	(pc) =	sbr.rel @p2 .LBB2_10-.Ltmp6, $4  }
0xc8: {  	vm1 =	veq.s32 v62, v2;
	v63 =	vbroadcast v7, $0xF  }
0xc9: {  	v3 =	vsel vm1, v3, v4  }
0xca: {  	[tilespmem:$0x11688] =	vst v3;
	v3 =	vsel vm1, v63, v5  }
0xcb: {  	[tilespmem:$0x11698] =	vst v3  }
0xcc: {  	v4 =	vshrl.u32 v3, $0x17  }
0xcd: {  	v4 =	vand.u32 $0xFF, v4  }
0xce: {  	v4 =	vadd.s32 $0xFFFFFF81, v4  }
0xcf: {  	v4 =	vcvt.s32.f32 v4;
	_ =	sdelay $0x1  }
0xd0: {  	v4 =	vmul.f32 $6.931471820e-01, v4;
	_ =	sdelay $0x1  }
0xd1: {  	v5 =	vsub.f32 $0.0e+00, v4;
	_ =	sdelay $0x1  }
0xd2: {  	v5 =	vmul.f32 $1.442695020e+00, v5;
	_ =	sdelay $0x1  }
0xd3: {  	(erf) = vpow2.f32 v5;
	_ =	sdelay $0x8  }
0xd4: {  	v5 =	vpop (erf)  }
0xd5: {  	v5 =	vmul.f32 v5, v3;
	_ =	sdelay $0x1  }
0xd6: {  	v4 =	vadd.f32 v5, v4;
	_ =	sdelay $0x1  }
0xd7: {  	v4 =	vadd.f32 $-1.000000000e+00, v4;
	_ =	sdelay $0x1  }
0xd8: {  	v5 =	vsub.f32 $0.0e+00, v4;
	_ =	sdelay $0x1  }
0xd9: {  	v5 =	vmul.f32 $1.442695020e+00, v5;
	_ =	sdelay $0x1  }
0xda: {  	(erf) = vpow2.f32 v5;
	_ =	sdelay $0x8  }
0xdb: {  	v5 =	vpop (erf)  }
0xdc: {  	v5 =	vmul.f32 v5, v3;
	_ =	sdelay $0x1  }
0xdd: {  	v4 =	vadd.f32 v5, v4;
	_ =	sdelay $0x1  }
0xde: {  	v4 =	vadd.f32 $-1.000000000e+00, v4;
	_ =	sdelay $0x1  }
0xdf: {  	v5 =	vsub.f32 $0.0e+00, v4;
	_ =	sdelay $0x1  }
0xe0: {  	v5 =	vmul.f32 $1.442695020e+00, v5;
	_ =	sdelay $0x1  }
0xe1: {  	(erf) = vpow2.f32 v5;
	_ =	sdelay $0x8  }
0xe2: {  	v5 =	vpop (erf)  }
0xe3: {  	v5 =	vmul.f32 v5, v3;
	_ =	sdelay $0x1  }
0xe4: {  	v4 =	vadd.f32 v5, v4;
	_ =	sdelay $0x1  }
0xe5: {  	v4 =	vadd.f32 $-1.000000000e+00, v4;
	_ =	sdelay $0x1  }
0xe6: {  	v5 =	vsub.f32 $0.0e+00, v4;
	_ =	sdelay $0x1  }
0xe7: {  	v5 =	vmul.f32 $1.442695020e+00, v5;
	_ =	sdelay $0x1  }
0xe8: {  	(erf) = vpow2.f32 v5;
	_ =	sdelay $0x8  }
0xe9: {  	v5 =	vpop (erf)  }
0xea: {  	v5 =	vmul.f32 v5, v3;
	_ =	sdelay $0x1  }
0xeb: {  	v4 =	vadd.f32 v5, v4;
	_ =	sdelay $0x1  }
0xec: {  	v4 =	vadd.f32 $-1.000000000e+00, v4;
	_ =	sdelay $0x1  }
0xed: {  	v5 =	vsub.f32 $0.0e+00, v4;
	_ =	sdelay $0x1  }
0xee: {  	v5 =	vmul.f32 $1.442695020e+00, v5;
	_ =	sdelay $0x1  }
0xef: {  	(erf) = vpow2.f32 v5;
	_ =	sdelay $0x8  }
0xf0: {  	v5 =	vpop (erf)  }
0xf1: {  	v3 =	vmul.f32 v5, v3  }
0xf2: {  	v5 =	vld [tilespmem:$0x11688]  }
0xf3: {  	v3 =	vadd.f32 v3, v4;
	_ =	sdelay $0x1  }
0xf4: {  	v3 =	vadd.f32 $-1.000000000e+00, v3  }
.Ltmp7:
0xf5: {  	_ = 	snop;
	(pc) =	sbr.rel .LBB2_16-.Ltmp7, $4  }
0xf6: {  	v3 =	vadd.f32 v3, v5  }
0xf7: {  	[tilespmem:$0x11688] =	vst v0  }
0xf8: {  	[tilespmem:$0x116B8] =	vst v3;
	v3 =	vimm.f32 $2.000000000e+00  }
0xf9: {  	s28 =	simm.s32 $0x0;
	[tilespmem:$0x11698] =	vst v3  }
.LBB2_22:
0xfa: {  	s28 =	sadd.s32 $0x1, s28  }
0xfb: {  	p2 =	sne.s32 s28, $0x10  }
.Ltmp8:
0xfc: {  	_ = 	snop;
	(pc) =	sbr.rel @!p2 .LBB2_23-.Ltmp8, $1  }
0xfd: {  	_ =	sdelay $0x3  }
.LBB2_16:
0xfe: {  	s29 =	sadd.s32 s10, s28  }
0xff: {  	p2 =	sgt.u32 s29, $0x3E7  }
.Ltmp9:
0x100: {  	_ = 	snop;
	(pc) =	sbr.rel @p2 .LBB2_22-.Ltmp9, $1  }
0x101: {  	_ =	sdelay $0x3  }
0x102: {  	s29 =	smul.u32 $0xFA0, s29;
	_ =	sdelay $0x1  }
0x103: {  	s29 =	sshra.s32 s29, $0x2  }
0x104: {  	s29 =	sadd.s32 s29, s1  }
0x105: {  	[tilespmem:s21], [sflag:$0x1] =	stream.linear.gather [spmem:s29], $0x3E8, $0x38;
	[tilespmem:$0x116E8] =	vst v63  }
0x106: {  	_ =	swait.ge [sflag:s19], $0x3E8  }
0x107: {  	[sflag:s19] =	ssyncset.done $0x0  }
0x108: {  	[sflag:s19] =	ssyncadd.s32 $0xFFFFFC18  }
0x109: {  	v3 =	vld [tilespmem:$0x11280];
	_ =	sdelay $0x4  }
0x10a: {  	s30 =	simm.s32 $0x10;
	s29 =	simm.s32 $0x80;
	[tilespmem:$0x11668] =	vst v3  }
.LBB2_18:
0x10b: {  	p2 =	sne.s32 s29, $0xF40;
	v4 =	vld [tilespmem:s30+$0x11280];
	_ =	sdelay $0x1  }
.Ltmp10:
0x10c: {  	(pc) =	sbr.rel @p2 .LBB2_18-.Ltmp10, $3  }
0x10d: {  	_ =	sdelay $0x1  }
0x10e: {  	v3 =	vmax.f32 v3, v4  }
0x10f: {  	s30 =	sshra.s32 s29, $0x2;
	s29 =	sadd.s32 $0x40, s29;
	[tilespmem:$0x11668] =	vst v3  }
0x110: {  	v5 =	vld [tilespmem:s30+$0x11280]  }
0x111: {  	v4 =	vld [tilespmem:$0x11658];
	_ =	sdelay $0x4  }
0x112: {  	v3 =	vmax.f32 v3, v5;
	v5 =	vsel vm0, $0xFF61B1E6, v4  }
0x113: {  	v5 =	vmax.f32 v3, v5  }
0x114: {  	(xrf0) =	vmax.scan.msk.f32 $0xffff, v5;
	_ =	sdelay $0x4  }
0x115: {  	[tilespmem:$0x11668] =	vst v3  }
0x116: {  	[tilespmem:$0x11668] =	vst v5;
	v5 =	vimm.f32 $0.0e+00;
	v3, _, _ =	vpop (xrf0)  }
0x117: {  	s30 =	simm.s32 $0x0;
	s29 =	simm.s32 $0x40;
	[tilespmem:$0x11678] =	vst v5;
	v3 =	vbroadcast v3, $0xF  }
.LBB2_20:
0x118: {  	p2 =	sne.s32 s29, $0xF40;
	v6 =	vld [tilespmem:s30+$0x11280];
	_ =	sdelay $0x4  }
0x119: {  	v6 =	vsub.f32 v6, v3;
	_ =	sdelay $0x1  }
0x11a: {  	v6 =	vmul.f32 $1.442695020e+00, v6;
	_ =	sdelay $0x1  }
0x11b: {  	(erf) = vpow2.f32 v6;
	_ =	sdelay $0x7  }
.Ltmp11:
0x11c: {  	(pc) =	sbr.rel @p2 .LBB2_20-.Ltmp11, $3  }
0x11d: {  	v6 =	vpop (erf)  }
0x11e: {  	v5 =	vadd.f32 v6, v5;
	_ =	sdelay $0x1  }
0x11f: {  	s30 =	sshra.s32 s29, $0x2;
	s29 =	sadd.s32 $0x40, s29;
	[tilespmem:$0x11678] =	vst v5  }
0x120: {  	v6 =	vld [tilespmem:s30+$0x11280];
	_ =	sdelay $0x4  }
0x121: {  	v6 =	vsub.f32 v6, v3  }
0x122: {  	v4 =	vsub.f32 v4, v3  }
0x123: {  	v6 =	vmul.f32 $1.442695020e+00, v6  }
0x124: {  	v4 =	vmul.f32 $1.442695020e+00, v4  }
0x125: {  	(erf) = vpow2.f32 v6  }
0x126: {  	(erf) = vpow2.f32 v4;
	_ =	sdelay $0x7  }
0x127: {  	v4 =	vpop (erf)  }
0x128: {  	v4 =	vadd.f32 v4, v5;
	v5 =	vpop (erf)  }
0x129: {  	v5 =	vsel vm0, $0x0, v5  }
0x12a: {  	v5 =	vadd.f32 v4, v5  }
0x12b: {  	[tilespmem:$0x11678] =	vst v4  }
0x12c: {  	[tilespmem:$0x11678] =	vst v5  }
0x12d: {  	v4 =	vld [tilespmem:$0x11678];
	_ =	sdelay $0x4  }
0x12e: {  	(xrf2) =	vadd.scan.msk.f32 $0xffff, v4;
	_ =	sdelay $0x6  }
0x12f: {  	v4 =	vld [tilespmem:$0x11688]  }
0x130: {  	v5 =	vld [tilespmem:$0x11698];
	_ =	sdelay $0x1  }
.Ltmp12:
0x131: {  	v62 =	vmov s28;
	v7, _, _ =	vpop (xrf2);
	(pc) =	sbr.rel .LBB2_22-.Ltmp12, $4  }
0x132: {  	vm1 =	veq.s32 v62, v2;
	v63 =	vbroadcast v7, $0xF  }
0x133: {  	v3 =	vsel vm1, v3, v4  }
0x134: {  	[tilespmem:$0x11688] =	vst v3;
	v3 =	vsel vm1, v63, v5  }
0x135: {  	[tilespmem:$0x11698] =	vst v3  }
.LBB2_23:
0x136: {  	v4 =	vshrl.u32 v3, $0x17  }
0x137: {  	v4 =	vand.u32 $0xFF, v4  }
0x138: {  	v4 =	vadd.s32 $0xFFFFFF81, v4  }
0x139: {  	v4 =	vcvt.s32.f32 v4;
	_ =	sdelay $0x1  }
0x13a: {  	v4 =	vmul.f32 $6.931471820e-01, v4;
	_ =	sdelay $0x1  }
0x13b: {  	v5 =	vsub.f32 $0.0e+00, v4;
	_ =	sdelay $0x1  }
0x13c: {  	v5 =	vmul.f32 $1.442695020e+00, v5;
	_ =	sdelay $0x1  }
0x13d: {  	(erf) = vpow2.f32 v5;
	_ =	sdelay $0x8  }
0x13e: {  	v5 =	vpop (erf)  }
0x13f: {  	v5 =	vmul.f32 v5, v3;
	_ =	sdelay $0x1  }
0x140: {  	v4 =	vadd.f32 v5, v4;
	_ =	sdelay $0x1  }
0x141: {  	v4 =	vadd.f32 $-1.000000000e+00, v4;
	_ =	sdelay $0x1  }
0x142: {  	v5 =	vsub.f32 $0.0e+00, v4;
	_ =	sdelay $0x1  }
0x143: {  	v5 =	vmul.f32 $1.442695020e+00, v5;
	_ =	sdelay $0x1  }
0x144: {  	(erf) = vpow2.f32 v5;
	_ =	sdelay $0x8  }
0x145: {  	v5 =	vpop (erf)  }
0x146: {  	v5 =	vmul.f32 v5, v3;
	_ =	sdelay $0x1  }
0x147: {  	v4 =	vadd.f32 v5, v4;
	_ =	sdelay $0x1  }
0x148: {  	v4 =	vadd.f32 $-1.000000000e+00, v4;
	_ =	sdelay $0x1  }
0x149: {  	v5 =	vsub.f32 $0.0e+00, v4;
	_ =	sdelay $0x1  }
0x14a: {  	v5 =	vmul.f32 $1.442695020e+00, v5;
	_ =	sdelay $0x1  }
0x14b: {  	(erf) = vpow2.f32 v5;
	_ =	sdelay $0x8  }
0x14c: {  	v5 =	vpop (erf)  }
0x14d: {  	v5 =	vmul.f32 v5, v3;
	_ =	sdelay $0x1  }
0x14e: {  	v4 =	vadd.f32 v5, v4;
	_ =	sdelay $0x1  }
0x14f: {  	v4 =	vadd.f32 $-1.000000000e+00, v4;
	_ =	sdelay $0x1  }
0x150: {  	v5 =	vsub.f32 $0.0e+00, v4;
	_ =	sdelay $0x1  }
0x151: {  	v5 =	vmul.f32 $1.442695020e+00, v5;
	_ =	sdelay $0x1  }
0x152: {  	(erf) = vpow2.f32 v5;
	_ =	sdelay $0x8  }
0x153: {  	v5 =	vpop (erf)  }
0x154: {  	v5 =	vmul.f32 v5, v3;
	_ =	sdelay $0x1  }
0x155: {  	v4 =	vadd.f32 v5, v4;
	_ =	sdelay $0x1  }
0x156: {  	v4 =	vadd.f32 $-1.000000000e+00, v4;
	_ =	sdelay $0x1  }
0x157: {  	v5 =	vsub.f32 $0.0e+00, v4;
	_ =	sdelay $0x1  }
0x158: {  	v5 =	vmul.f32 $1.442695020e+00, v5;
	_ =	sdelay $0x1  }
0x159: {  	(erf) = vpow2.f32 v5;
	_ =	sdelay $0x8  }
0x15a: {  	v5 =	vpop (erf)  }
0x15b: {  	v3 =	vmul.f32 v5, v3  }
0x15c: {  	v5 =	vld [tilespmem:$0x11688]  }
0x15d: {  	v3 =	vadd.f32 v3, v4;
	_ =	sdelay $0x1  }
0x15e: {  	v3 =	vadd.f32 $-1.000000000e+00, v3  }
.Ltmp13:
0x15f: {  	_ = 	snop;
	(pc) =	sbr.rel .LBB2_24-.Ltmp13, $4  }
0x160: {  	v3 =	vadd.f32 v3, v5  }
0x161: {  	[tilespmem:$0x11688] =	vst v0  }
0x162: {  	[tilespmem:$0x116C8] =	vst v3;
	v3 =	vimm.f32 $2.000000000e+00  }
0x163: {  	s28 =	simm.s32 $0x0;
	[tilespmem:$0x11698] =	vst v3  }
.LBB2_30:
0x164: {  	s28 =	sadd.s32 $0x1, s28  }
0x165: {  	p2 =	sne.s32 s28, $0x10  }
.Ltmp14:
0x166: {  	_ = 	snop;
	(pc) =	sbr.rel @!p2 .LBB2_31-.Ltmp14, $1  }
0x167: {  	_ =	sdelay $0x3  }
.LBB2_24:
0x168: {  	s29 =	sadd.s32 s11, s28  }
0x169: {  	p2 =	sgt.u32 s29, $0x3E7  }
.Ltmp15:
0x16a: {  	_ = 	snop;
	(pc) =	sbr.rel @p2 .LBB2_30-.Ltmp15, $1  }
0x16b: {  	_ =	sdelay $0x3  }
0x16c: {  	s29 =	smul.u32 $0xFA0, s29;
	_ =	sdelay $0x1  }
0x16d: {  	s29 =	sshra.s32 s29, $0x2  }
0x16e: {  	s29 =	sadd.s32 s29, s1  }
0x16f: {  	[tilespmem:s21], [sflag:$0x1] =	stream.linear.gather [spmem:s29], $0x3E8, $0x38;
	[tilespmem:$0x116E8] =	vst v63  }
0x170: {  	_ =	swait.ge [sflag:s19], $0x3E8  }
0x171: {  	[sflag:s19] =	ssyncset.done $0x0  }
0x172: {  	[sflag:s19] =	ssyncadd.s32 $0xFFFFFC18  }
0x173: {  	v3 =	vld [tilespmem:$0x11280];
	_ =	sdelay $0x4  }
0x174: {  	s30 =	simm.s32 $0x10;
	s29 =	simm.s32 $0x80;
	[tilespmem:$0x11668] =	vst v3  }
.LBB2_26:
0x175: {  	p2 =	sne.s32 s29, $0xF40;
	v4 =	vld [tilespmem:s30+$0x11280];
	_ =	sdelay $0x1  }
.Ltmp16:
0x176: {  	(pc) =	sbr.rel @p2 .LBB2_26-.Ltmp16, $3  }
0x177: {  	_ =	sdelay $0x1  }
0x178: {  	v3 =	vmax.f32 v3, v4  }
0x179: {  	s30 =	sshra.s32 s29, $0x2;
	s29 =	sadd.s32 $0x40, s29;
	[tilespmem:$0x11668] =	vst v3  }
0x17a: {  	v5 =	vld [tilespmem:s30+$0x11280]  }
0x17b: {  	v4 =	vld [tilespmem:$0x11658];
	_ =	sdelay $0x4  }
0x17c: {  	v3 =	vmax.f32 v3, v5;
	v5 =	vsel vm0, $0xFF61B1E6, v4  }
0x17d: {  	v5 =	vmax.f32 v3, v5  }
0x17e: {  	(xrf0) =	vmax.scan.msk.f32 $0xffff, v5;
	_ =	sdelay $0x4  }
0x17f: {  	[tilespmem:$0x11668] =	vst v3  }
0x180: {  	[tilespmem:$0x11668] =	vst v5;
	v5 =	vimm.f32 $0.0e+00;
	v3, _, _ =	vpop (xrf0)  }
0x181: {  	s30 =	simm.s32 $0x0;
	s29 =	simm.s32 $0x40;
	[tilespmem:$0x11678] =	vst v5;
	v3 =	vbroadcast v3, $0xF  }
.LBB2_28:
0x182: {  	p2 =	sne.s32 s29, $0xF40;
	v6 =	vld [tilespmem:s30+$0x11280];
	_ =	sdelay $0x4  }
0x183: {  	v6 =	vsub.f32 v6, v3;
	_ =	sdelay $0x1  }
0x184: {  	v6 =	vmul.f32 $1.442695020e+00, v6;
	_ =	sdelay $0x1  }
0x185: {  	(erf) = vpow2.f32 v6;
	_ =	sdelay $0x7  }
.Ltmp17:
0x186: {  	(pc) =	sbr.rel @p2 .LBB2_28-.Ltmp17, $3  }
0x187: {  	v6 =	vpop (erf)  }
0x188: {  	v5 =	vadd.f32 v6, v5;
	_ =	sdelay $0x1  }
0x189: {  	s30 =	sshra.s32 s29, $0x2;
	s29 =	sadd.s32 $0x40, s29;
	[tilespmem:$0x11678] =	vst v5  }
0x18a: {  	v6 =	vld [tilespmem:s30+$0x11280];
	_ =	sdelay $0x4  }
0x18b: {  	v6 =	vsub.f32 v6, v3  }
0x18c: {  	v4 =	vsub.f32 v4, v3  }
0x18d: {  	v6 =	vmul.f32 $1.442695020e+00, v6  }
0x18e: {  	v4 =	vmul.f32 $1.442695020e+00, v4  }
0x18f: {  	(erf) = vpow2.f32 v6  }
0x190: {  	(erf) = vpow2.f32 v4;
	_ =	sdelay $0x7  }
0x191: {  	v4 =	vpop (erf)  }
0x192: {  	v4 =	vadd.f32 v4, v5;
	v5 =	vpop (erf)  }
0x193: {  	v5 =	vsel vm0, $0x0, v5  }
0x194: {  	v5 =	vadd.f32 v4, v5  }
0x195: {  	[tilespmem:$0x11678] =	vst v4  }
0x196: {  	[tilespmem:$0x11678] =	vst v5  }
0x197: {  	v4 =	vld [tilespmem:$0x11678];
	_ =	sdelay $0x4  }
0x198: {  	(xrf2) =	vadd.scan.msk.f32 $0xffff, v4;
	_ =	sdelay $0x6  }
0x199: {  	v4 =	vld [tilespmem:$0x11688]  }
0x19a: {  	v5 =	vld [tilespmem:$0x11698];
	_ =	sdelay $0x1  }
.Ltmp18:
0x19b: {  	v62 =	vmov s28;
	v7, _, _ =	vpop (xrf2);
	(pc) =	sbr.rel .LBB2_30-.Ltmp18, $4  }
0x19c: {  	vm1 =	veq.s32 v62, v2;
	v63 =	vbroadcast v7, $0xF  }
0x19d: {  	v3 =	vsel vm1, v3, v4  }
0x19e: {  	[tilespmem:$0x11688] =	vst v3;
	v3 =	vsel vm1, v63, v5  }
0x19f: {  	[tilespmem:$0x11698] =	vst v3  }
.LBB2_31:
0x1a0: {  	v4 =	vshrl.u32 v3, $0x17  }
0x1a1: {  	v4 =	vand.u32 $0xFF, v4  }
0x1a2: {  	v4 =	vadd.s32 $0xFFFFFF81, v4  }
0x1a3: {  	v4 =	vcvt.s32.f32 v4;
	_ =	sdelay $0x1  }
0x1a4: {  	v4 =	vmul.f32 $6.931471820e-01, v4;
	_ =	sdelay $0x1  }
0x1a5: {  	v5 =	vsub.f32 $0.0e+00, v4;
	_ =	sdelay $0x1  }
0x1a6: {  	v5 =	vmul.f32 $1.442695020e+00, v5;
	_ =	sdelay $0x1  }
0x1a7: {  	(erf) = vpow2.f32 v5;
	_ =	sdelay $0x8  }
0x1a8: {  	v5 =	vpop (erf)  }
0x1a9: {  	v5 =	vmul.f32 v5, v3;
	_ =	sdelay $0x1  }
0x1aa: {  	v4 =	vadd.f32 v5, v4;
	_ =	sdelay $0x1  }
0x1ab: {  	v4 =	vadd.f32 $-1.000000000e+00, v4;
	_ =	sdelay $0x1  }
0x1ac: {  	v59 =	vsub.f32 $0.0e+00, v4;
	_ =	sdelay $0x1  }
0x1ad: {  	v5 =	vmul.f32 $1.442695020e+00, v59;
	_ =	sdelay $0x1  }
0x1ae: {  	(erf) = vpow2.f32 v5;
	_ =	sdelay $0x8  }
0x1af: {  	v5 =	vpop (erf)  }
0x1b0: {  	v5 =	vmul.f32 v5, v3;
	_ =	sdelay $0x1  }
0x1b1: {  	v4 =	vadd.f32 v5, v4;
	_ =	sdelay $0x1  }
0x1b2: {  	v4 =	vadd.f32 $-1.000000000e+00, v4;
	_ =	sdelay $0x1  }
0x1b3: {  	v60 =	vsub.f32 $0.0e+00, v4;
	_ =	sdelay $0x1  }
0x1b4: {  	v5 =	vmul.f32 $1.442695020e+00, v60;
	_ =	sdelay $0x1  }
0x1b5: {  	(erf) = vpow2.f32 v5;
	_ =	sdelay $0x8  }
0x1b6: {  	v5 =	vpop (erf)  }
0x1b7: {  	v5 =	vmul.f32 v5, v3;
	_ =	sdelay $0x1  }
0x1b8: {  	v4 =	vadd.f32 v5, v4;
	_ =	sdelay $0x1  }
0x1b9: {  	v4 =	vadd.f32 $-1.000000000e+00, v4;
	_ =	sdelay $0x1  }
0x1ba: {  	v61 =	vsub.f32 $0.0e+00, v4;
	_ =	sdelay $0x1  }
0x1bb: {  	v5 =	vmul.f32 $1.442695020e+00, v61;
	_ =	sdelay $0x1  }
0x1bc: {  	(erf) = vpow2.f32 v5;
	_ =	sdelay $0x8  }
0x1bd: {  	v5 =	vpop (erf)  }
0x1be: {  	v5 =	vmul.f32 v5, v3;
	_ =	sdelay $0x1  }
0x1bf: {  	v4 =	vadd.f32 v5, v4;
	_ =	sdelay $0x1  }
0x1c0: {  	v4 =	vadd.f32 $-1.000000000e+00, v4;
	_ =	sdelay $0x1  }
0x1c1: {  	v62 =	vsub.f32 $0.0e+00, v4;
	_ =	sdelay $0x1  }
0x1c2: {  	v5 =	vmul.f32 $1.442695020e+00, v62;
	_ =	sdelay $0x1  }
0x1c3: {  	(erf) = vpow2.f32 v5;
	_ =	sdelay $0x8  }
0x1c4: {  	v5 =	vpop (erf)  }
0x1c5: {  	v3 =	vmul.f32 v5, v3  }
0x1c6: {  	v63 =	vld [tilespmem:$0x11688]  }
0x1c7: {  	v3 =	vadd.f32 v3, v4;
	_ =	sdelay $0x1  }
0x1c8: {  	v3 =	vadd.f32 $-1.000000000e+00, v3;
	_ =	sdelay $0x1  }
0x1c9: {  	v3 =	vadd.f32 v3, v63;
	_ =	sdelay $0x1  }
0x1ca: {  	[tilespmem:$0x116D8] =	vst v3  }
0x1cb: {  	[spmem:s12] =	stream.linear.scatter [tilespmem:s22], [sflag:$0x1], $0x40, $0x38;
	[tilespmem:$0x116E8] =	vst v63  }
0x1cc: {  	_ =	swait.ge [sflag:s19], $0x40  }
0x1cd: {  	[sflag:s19] =	ssyncset.done $0x0  }
0x1ce: {  	[sflag:s19] =	ssyncadd.s32 $0xFFFFFFC0  }
0x1cf: {  	[bflag:$0x0] =	sbarrier.arrive $0xFFFF  }
0x1d0: {  	[tilespmem:s23], [sflag:$0x1] =	stream.linear.gather [spmem:s2], $0x3E8, $0x38;
	[tilespmem:$0x116E8] =	vst v63  }
0x1d1: {  	_ =	swait.ge [sflag:s19], $0x3E8  }
0x1d2: {  	[sflag:s19] =	ssyncset.done $0x0  }
0x1d3: {  	s28 =	simm.s32 $0x10B20;
	s29 =	simm.s32 $0x100F8;
	[sflag:s19] =	ssyncadd.s32 $0xFFFFFC18  }
0x1d4: {  	[tilespmem:s28], [sflag:$0x1] =	stream.indirect.gather [spmem:s1], $0x1, s29, s24, $0xb8;
	[tilespmem:$0x116E8] =	vst v63  }
0x1d5: {  	s28 =	simm.s32 $0x0;
	s29 =	simm.s32 $0x100;
	_ =	swait.ge [sflag:s19], $0x40  }
.LBB2_32:
0x1d6: {  	s30 =	sshra.s32 s29, $0x2  }
0x1d7: {  	[sflag:s19] =	ssyncset.done $0x0;
	p2 =	sne.s32 s29, $0x1800;
	s31 =	sadd.s32 $0x10B20, s30  }
.Ltmp19:
0x1d8: {  	s30 =	sadd.s32 $0x100F8, s30;
	[sflag:s19] =	ssyncadd.s32 $0xFFFFFFC0;
	(pc) =	sbr.rel @p2 .LBB2_32-.Ltmp19, $3  }
0x1d9: {  	[tilespmem:s31], [sflag:$0x1] =	stream.indirect.gather [spmem:s1], $0x1, s30, s24, $0xb8;
	[tilespmem:$0x116E8] =	vst v63  }
0x1da: {  	s29 =	sadd.s32 $0x100, s29;
	_ =	sdelay $0x1  }
0x1db: {  	_ =	swait.ge [sflag:s19], $0x40  }
0x1dc: {  	[sflag:s19] =	ssyncset.done $0x0  }
0x1dd: {  	[sflag:s19] =	ssyncadd.s32 $0xFFFFFFC0  }
0x1de: {  	s29 =	simm.s32 $0x40;
	v3 =	vld [tilespmem:$0x11170]  }
.LBB2_34:
0x1df: {  	p2 =	sne.s32 s29, $0x18C0;
	v4 =	vld [tilespmem:s28+$0x10B20];
	_ =	sdelay $0x4  }
0x1e0: {  	v3 =	vadd.f32 v4, v3;
	_ =	sdelay $0x1  }
0x1e1: {  	[tilespmem:$0x11170] =	vst v3  }
0x1e2: {  	v3 =	vld [tilespmem:s28+$0xF478];
	_ =	sdelay $0x7  }
0x1e3: {  	v3 =	vld.idx.msk [tilespmem:v3+s23+$0x0], $0xffff  }
0x1e4: {  	v4 =	vld [tilespmem:$0x11160];
	_ =	sdelay $0x2  }
.Ltmp20:
0x1e5: {  	(pc) =	sbr.rel @p2 .LBB2_34-.Ltmp20, $3  }
0x1e6: {  	_ = 	snop  }
0x1e7: {  	v4 =	vadd.f32 v4, v3;
	_ =	sdelay $0x1  }
0x1e8: {  	s28 =	sshra.s32 s29, $0x2;
	s29 =	sadd.s32 $0x40, s29;
	v3 =	vld [tilespmem:$0x11170];
	[tilespmem:$0x11160] =	vst v4  }
0x1e9: {  	v4 =	vld [tilespmem:s28+$0x10B20];
	_ =	sdelay $0x4  }
0x1ea: {  	v3 =	vadd.f32 v4, v3;
	_ =	sdelay $0x1  }
0x1eb: {  	[tilespmem:$0x11170] =	vst v3  }
0x1ec: {  	v3 =	vld [tilespmem:s28+$0xF478];
	_ =	sdelay $0x6  }
0x1ed: {  	v63 =	vld [tilespmem:$0x11160]  }
0x1ee: {  	v3 =	vld.idx.msk [tilespmem:v3+s23+$0x0], $0xffff;
	_ =	sdelay $0x1  }
0x1ef: {  	v5 =	vld [tilespmem:$0x11170];
	_ =	sdelay $0x2  }
0x1f0: {  	v3 =	vadd.f32 v63, v3;
	_ =	sdelay $0x1  }
0x1f1: {  	v4 =	vsub.f32 v3, v5  }
0x1f2: {  	[tilespmem:$0x11160] =	vst v3  }
0x1f3: {  	[tilespmem:$0x11160] =	vst v4  }
0x1f4: {  	[spmem:s13] =	stream.linear.scatter [tilespmem:s25], [sflag:$0x1], $0x10, $0x38;
	[tilespmem:$0x116E8] =	vst v63  }
0x1f5: {  	_ =	swait.ge [sflag:s19], $0x10  }
0x1f6: {  	[sflag:s19] =	ssyncset.done $0x0  }
0x1f7: {  	[sflag:s19] =	ssyncadd.s32 $0xFFFFFFF0  }
0x1f8: {  	s28 =	simm.s32 @!p1 $0x11180;
	[bflag:$0x0] =	sbarrier.arrive $0xFFFF  }
0x1f9: {  	[tilespmem:s28], [sflag:$0x1] =	stream.linear.gather @!p1 [spmem:s3], $0x100, $0x38;
	[tilespmem:$0x116E8] =	vst v63  }
0x1fa: {  	s28 =	simm.s32 @!p1 $0x1  }
0x1fb: {  	_ =	swait.ge @!p1 [sflag:s28], $0x100  }
0x1fc: {  	[sflag:s28] =	ssyncset.done @!p1 $0x0  }
0x1fd: {  	[sflag:s28] =	ssyncadd.s32 @!p1 $0xFFFFFF00  }
0x1fe: {  	v3 =	vld @!p1 [tilespmem:$0x11180];
	_ =	sdelay $0x1  }
0x1ff: {  	v4 =	vld @!p1 [tilespmem:$0x11190];
	_ =	sdelay $0x1  }
0x200: {  	v5 =	vld @!p1 [tilespmem:$0x111A0]  }
0x201: {  	v3 =	vadd.f32 @!p1 $0.0e+00, v3  }
0x202: {  	v6 =	vld @!p1 [tilespmem:$0x111B0]  }
0x203: {  	v4 =	vadd.f32 @!p1 v4, v3  }
0x204: {  	v7 =	vld @!p1 [tilespmem:$0x111C0]  }
0x205: {  	v5 =	vadd.f32 @!p1 v5, v4  }
0x206: {  	v8 =	vld @!p1 [tilespmem:$0x111D0]  }
0x207: {  	v6 =	vadd.f32 @!p1 v6, v5  }
0x208: {  	v9 =	vld @!p1 [tilespmem:$0x111E0]  }
0x209: {  	v7 =	vadd.f32 @!p1 v7, v6  }
0x20a: {  	v10 =	vld @!p1 [tilespmem:$0x111F0]  }
0x20b: {  	v8 =	vadd.f32 @!p1 v8, v7  }
0x20c: {  	v11 =	vld @!p1 [tilespmem:$0x11200]  }
0x20d: {  	v9 =	vadd.f32 @!p1 v9, v8  }
0x20e: {  	v12 =	vld @!p1 [tilespmem:$0x11210]  }
0x20f: {  	v10 =	vadd.f32 @!p1 v10, v9  }
0x210: {  	v13 =	vimm.f32 @!p1 $0.0e+00;
	v14 =	vld @!p1 [tilespmem:$0x11220]  }
0x211: {  	[tilespmem:$0x11170] =	vst @!p1 v13;
	v11 =	vadd.f32 @!p1 v11, v10  }
0x212: {  	[tilespmem:$0x11170] =	vst @!p1 v3;
	v3 =	vld @!p1 [tilespmem:$0x11230]  }
0x213: {  	[tilespmem:$0x11170] =	vst @!p1 v4;
	v4 =	vadd.f32 @!p1 v12, v11  }
0x214: {  	[tilespmem:$0x11170] =	vst @!p1 v5;
	v5 =	vld @!p1 [tilespmem:$0x11240]  }
0x215: {  	[tilespmem:$0x11170] =	vst @!p1 v6;
	v6 =	vadd.f32 @!p1 v14, v4  }
0x216: {  	[tilespmem:$0x11170] =	vst @!p1 v7;
	v7 =	vld @!p1 [tilespmem:$0x11250]  }
0x217: {  	[tilespmem:$0x11170] =	vst @!p1 v8;
	v3 =	vadd.f32 @!p1 v3, v6  }
0x218: {  	v8 =	vld @!p1 [tilespmem:$0x11260];
	[tilespmem:$0x11170] =	vst @!p1 v9  }
0x219: {  	[tilespmem:$0x11170] =	vst @!p1 v10;
	v5 =	vadd.f32 @!p1 v5, v3  }
0x21a: {  	v9 =	vld @!p1 [tilespmem:$0x11270];
	[tilespmem:$0x11170] =	vst @!p1 v11  }
0x21b: {  	[tilespmem:$0x11170] =	vst @!p1 v4;
	v4 =	vadd.f32 @!p1 v7, v5  }
0x21c: {  	[tilespmem:$0x11170] =	vst @!p1 v6  }
0x21d: {  	[tilespmem:$0x11170] =	vst @!p1 v3;
	v3 =	vadd.f32 @!p1 v8, v4  }
0x21e: {  	[tilespmem:$0x11170] =	vst @!p1 v5  }
0x21f: {  	s26 =	sadd.s32 $0x1, s26;
	[tilespmem:$0x11170] =	vst @!p1 v4;
	v4 =	vadd.f32 @!p1 v9, v3  }
0x220: {  	p2 =	sne.s32 s26, s15;
	[tilespmem:$0x11170] =	vst @!p1 v3  }
.Ltmp21:
0x221: {  	s29 =	simm.s32 @!p1 $0x0;
	s30 =	simm.s32 @!p1 $0x11170;
	[tilespmem:$0x11170] =	vst @!p1 v4;
	(pc) =	sbr.rel @p2 .LBB2_1-.Ltmp21, $4  }
0x222: {  	[hbm4b:s14+s29] =	stream.linear.scatter @!p1 [tilespmem:s30], [sflag:$0x1], $0x10, $0x38;
	[tilespmem:$0x116E8] =	vst v63  }
0x223: {  	_ =	swait.ge @!p1 [sflag:s28], $0x10  }
0x224: {  	[sflag:s28] =	ssyncset.done @!p1 $0x0  }
0x225: {  	[sflag:s28] =	ssyncadd.s32 @!p1 $0xFFFFFFF0  }
0x226: {  	_ =	sfence.sel $0x180000  }
0x227: {  	[bflag:$0x0] =	sbarrier.arrive $0xFFFF  }
0x228: {  	_ =	strace $0x90000047  }
0x229: {  	s0 =	sadd.s32 @!p1 $0x100000, s0;
	[bflag:$0x2] =	sbarrier.arrive $0xFFFF  }
0x22a: {  	[sflag:s0] =	ssyncadd.tile.s32 @!p1 $0x1;
	_ =	shalt  }
.Lfunc_end2:
_tile_overlayer_lowered:
.L_overlay_start_2:
0x22b: {  	(tag) =	ssettag $0x2  }
0x22c: {  	s0 =	rddreg [dreg:$0x0];
	s2 =	stileid.u32  }
0x22d: {  	s1 =	rddreg [dreg:$0x1];
	p0 =	sne.s32 s2, $0x0  }
0x22e: {  	s3 =	rddreg [dreg:$0x2];
	[bflag:$0x3] =	sbarrier.arrive $0xFFFF;
	s2 =	simm.s32 @!p0 $0x1C01  }
0x22f: {  	[timem:s3], [sflag:s2] =	dma.local @!p0 [hbm:s0], s1  }
0x230: {  	s0 =	simm.s32 @!p0 $0x1  }
0x231: {  	_ =	swait.ge @!p0 [sflag:s0], s1  }
0x232: {  	s1 =	ssub.s32 @!p0 $0x0, s1;
	[sflag:s0] =	ssyncset.done @!p0 $0x0  }
0x233: {  	[sflag:s0] =	ssyncadd.s32 @!p0 s1  }
0x234: {  	[bflag:$0x3] =	sbarrier.arrive $0xFFFF  }
0x235: {  	_ =	shalt  }

</sc_bundles>
